<compile_context>
chip_gen: v7x
topology: tpu7x:2x2x1
jax: 0.10.2.dev20260603
libtpu: 0.0.44.dev20260713+nightly
codegen_flags: <defaults>
</compile_context>

<pallas_src>
import functools

import jax
import jax.numpy as jnp
from jax import lax
from jax.experimental import pallas as pl
from jax.experimental.pallas import tpu as pltpu
from jax.experimental.pallas import tpu_sc as plsc

NUM_EMB = 1000000
DIM = 64
B_TOKENS = 4096
SEQ = 200
B = B_TOKENS * SEQ

_info = plsc.get_sparse_core_info()
NC, NS, NL = _info.num_cores, _info.num_subcores, _info.num_lanes
NW = NC * NS
CHUNK = 128
NBT = B_TOKENS // CHUNK
NCHUNKS = SEQ * NBT
CH_PER_W = NCHUNKS // NW
NBUF = 4
NITER = CH_PER_W // NBUF


@functools.partial(
    pl.kernel,
    mesh=plsc.VectorSubcoreMesh(core_axis_name="c", subcore_axis_name="s"),
    out_type=jax.ShapeDtypeStruct((SEQ, DIM // 8, NBT, 8, CHUNK), jnp.float32),
    scratch_types=[
        pltpu.VMEM((CH_PER_W * CHUNK,), jnp.int32),
        *[pltpu.VMEM((CHUNK, DIM), jnp.float32) for _ in range(NBUF)],
        *[pltpu.VMEM((DIM // 8, 8, CHUNK + 1), jnp.float32) for _ in range(NBUF)],
        *[pltpu.SemaphoreType.DMA for _ in range(2 * NBUF)],
    ],
    compiler_params=pltpu.CompilerParams(use_tc_tiling_on_sc=False,
                                         needs_layout_passes=False),
)
def _gather_kernel(ids_hbm, table_hbm, out_hbm, idx_v, *bufs):
    rows = bufs[:NBUF]
    tiles = bufs[NBUF:2 * NBUF]
    gsem = bufs[2 * NBUF:3 * NBUF]
    wsem = bufs[3 * NBUF:4 * NBUF]

    wid = lax.axis_index("s") * NC + lax.axis_index("c")
    base_chunk = wid * CH_PER_W

    iota = jax.lax.iota(jnp.int32, 16)
    dt_vec = [(iota + 16 * g) // 8 for g in range(DIM // 16)]
    di_vec = iota % 8

    def gather(k, r, issue=True):
        mk = pltpu.async_copy if issue else pltpu.make_async_copy
        return mk(
            table_hbm.at[idx_v.at[pl.ds(k * CHUNK, CHUNK)]], rows[r], gsem[r])

    def write(k, r, issue=True):
        c = base_chunk + k
        s = c // NBT
        bt = c % NBT
        mk = pltpu.async_copy if issue else pltpu.make_async_copy
        return mk(tiles[r].at[:, :, pl.ds(0, CHUNK)], out_hbm.at[s, :, bt],
                  wsem[r])

    def transpose(r):
        U = 4
        NG = DIM // 16

        def b_body(j, carry):
            b0 = j * U
            bb = [jnp.zeros((16,), jnp.int32) + (b0 + u) for u in range(U)]
            vs = [[rows[r][b0 + u, pl.ds(16 * g, 16)] for g in range(NG)]
                  for u in range(U)]
            for u in range(U):
                for g in range(NG):
                    plsc.store_scatter(tiles[r], [dt_vec[g], di_vec, bb[u]],
                                       vs[u][g])
            return carry

        lax.fori_loop(0, CHUNK // U, b_body, 0)

    pltpu.sync_copy(ids_hbm.at[pl.ds(base_chunk * CHUNK, CH_PER_W * CHUNK)],
                    idx_v)
    for r in range(NBUF):
        gather(r, r)

    def ring_body(i, carry):
        for r in range(NBUF):
            k = i * NBUF + r
            gather(k, r, issue=False).wait()

            @pl.when(i > 0)
            def _():
                write(k - NBUF, r, issue=False).wait()

            transpose(r)
            write(k, r)

            @pl.when(i < NITER - 1)
            def _():
                gather(k + NBUF, r)

        return carry

    lax.fori_loop(0, NITER, ring_body, 0)
    for r in range(NBUF):
        write(CH_PER_W - NBUF + r, r, issue=False).wait()


def kernel(token_ids, emb_mat):
    flat_ids = token_ids.T.astype(jnp.int32).reshape(B)
    out5 = _gather_kernel(flat_ids, emb_mat)
    return out5.transpose(2, 4, 0, 1, 3).reshape(B_TOKENS, SEQ, DIM)

# --- scband reference (transcript-rebuilt; emitter-appended) ---
"""Pipeline reference for scband-embedding-2637109920103 (READ-ONLY COPY).

The authoritative reference and input builder live on the scoring server;
editing this copy changes nothing except your own understanding.
"""

import jax, jax.numpy as jnp
import numpy as np

NUM_EMBEDDINGS = 1000000
EMBEDDING_DIM = 64
INIT_STD = 0.02


def setup_inputs(seed: int = 0) -> dict:
    key = jax.random.key(seed)
    k1, k2 = jax.random.split(key)
    token_ids = jax.random.randint(k1, (4096, 200), 0, NUM_EMBEDDINGS, dtype=jnp.int64)
    emb_mat = jax.random.normal(k2, (NUM_EMBEDDINGS, EMBEDDING_DIM), dtype=jnp.float32) * INIT_STD
    return {"token_ids": token_ids, "emb_mat": emb_mat}


def reference(token_ids, emb_mat):
    # Faithful translation of: return self.emb_mat[token_ids]
    return jnp.take(emb_mat, token_ids, axis=0)

if __name__ == "__main__":
    import jax
    _d = setup_inputs()
    print(jax.jit(kernel)(*tuple(_d.values())))

</pallas_src>

<mosaic_0001>
#map = affine_map<(d0, d1) -> (0)>
#map1 = affine_map<(d0, d1) -> (0, 0)>
#map2 = affine_map<(d0, d1) -> (0, 0, 0, 0, 0)>
module attributes {stable_mosaic.version = 14 : i64} {
  func.func @_gather_kernel(%arg0: i32, %arg1: i32, %arg2: memref<819200xi32, #tpu.memory_space<hbm>>, %arg3: memref<1000000x64xf32, #tpu.memory_space<hbm>>, %arg4: memref<200x8x32x8x128xf32, #tpu.memory_space<hbm>>, %arg5: memref<25600xi32, #tpu.memory_space<vmem>>, %arg6: memref<128x64xf32, #tpu.memory_space<vmem>>, %arg7: memref<128x64xf32, #tpu.memory_space<vmem>>, %arg8: memref<128x64xf32, #tpu.memory_space<vmem>>, %arg9: memref<128x64xf32, #tpu.memory_space<vmem>>, %arg10: memref<8x8x129xf32, #tpu.memory_space<vmem>>, %arg11: memref<8x8x129xf32, #tpu.memory_space<vmem>>, %arg12: memref<8x8x129xf32, #tpu.memory_space<vmem>>, %arg13: memref<8x8x129xf32, #tpu.memory_space<vmem>>, %arg14: memref<!tpu.dma_semaphore, #tpu.memory_space<semaphore_mem>>, %arg15: memref<!tpu.dma_semaphore, #tpu.memory_space<semaphore_mem>>, %arg16: memref<!tpu.dma_semaphore, #tpu.memory_space<semaphore_mem>>, %arg17: memref<!tpu.dma_semaphore, #tpu.memory_space<semaphore_mem>>, %arg18: memref<!tpu.dma_semaphore, #tpu.memory_space<semaphore_mem>>, %arg19: memref<!tpu.dma_semaphore, #tpu.memory_space<semaphore_mem>>, %arg20: memref<!tpu.dma_semaphore, #tpu.memory_space<semaphore_mem>>, %arg21: memref<!tpu.dma_semaphore, #tpu.memory_space<semaphore_mem>>) attributes {dimension_semantics = [#tpu.dimension_semantics<core_parallel>, #tpu.dimension_semantics<subcore_parallel>], iteration_bounds = array<i64: 2, 16>, scalar_prefetch = 0 : i64, scratch_operands = 17 : i64, tpu.core_type = #tpu.core_type<sc_vector_subcore>, window_params = [{transform_indices = #map}, {transform_indices = #map1}, {transform_indices = #map2}]} {
    %mul3A = arith.constant 2 : i32
    %mul3A_0 = arith.muli %arg1, %mul3A : i32
    %add3A = arith.addi %mul3A_0, %arg0 : i32
    %mul3A_1 = arith.constant 200 : i32
    %mul3A_2 = arith.muli %add3A, %mul3A_1 : i32
    %iota3A = tpu.iota {dimensions = array<i32: 0>} : vector<16xi32>
    %add3A_3 = arith.constant 0 : i32
    %add3A_4 = vector.broadcast %add3A_3 : i32 to vector<16xi32>
    %add3A_5 = arith.addi %iota3A, %add3A_4 : vector<16xi32>
    %jit3A = arith.constant 8 : i32
    %div3A = vector.broadcast %jit3A : i32 to vector<16xi32>
    %div3A_6 = arith.divsi %add3A_5, %div3A : vector<16xi32>
    %sign3A = arith.constant 0 : i32
    %sign3A_7 = vector.broadcast %sign3A : i32 to vector<16xi32>
    %sign3A_8 = arith.cmpi sgt, %add3A_5, %sign3A_7 : vector<16xi32>
    %sign3A_9 = arith.extui %sign3A_8 : vector<16xi1> to vector<16xi32>
    %sign3A_10 = arith.constant 0 : i32
    %sign3A_11 = vector.broadcast %sign3A_10 : i32 to vector<16xi32>
    %sign3A_12 = arith.cmpi slt, %add3A_5, %sign3A_11 : vector<16xi32>
    %sign3A_13 = arith.extui %sign3A_12 : vector<16xi1> to vector<16xi32>
    %sign3A_14 = arith.subi %sign3A_9, %sign3A_13 : vector<16xi32>
    %sign3A_15 = arith.constant 0 : i32
    %sign3A_16 = arith.cmpi sgt, %jit3A, %sign3A_15 : i32
    %sign3A_17 = arith.extui %sign3A_16 : i1 to i32
    %sign3A_18 = arith.constant 0 : i32
    %sign3A_19 = arith.cmpi slt, %jit3A, %sign3A_18 : i32
    %sign3A_20 = arith.extui %sign3A_19 : i1 to i32
    %sign3A_21 = arith.subi %sign3A_17, %sign3A_20 : i32
    %ne3A = vector.broadcast %sign3A_21 : i32 to vector<16xi32>
    %ne3A_22 = arith.cmpi ne, %sign3A_14, %ne3A : vector<16xi32>
    %rem3A = vector.broadcast %jit3A : i32 to vector<16xi32>
    %rem3A_23 = arith.remsi %add3A_5, %rem3A : vector<16xi32>
    %ne3A_24 = arith.constant 0 : i32
    %ne3A_25 = vector.broadcast %ne3A_24 : i32 to vector<16xi32>
    %ne3A_26 = arith.cmpi ne, %rem3A_23, %ne3A_25 : vector<16xi32>
    %and3A = arith.andi %ne3A_22, %ne3A_26 : vector<16xi1>
    %sub3A = arith.constant 1 : i32
    %sub3A_27 = vector.broadcast %sub3A : i32 to vector<16xi32>
    %sub3A_28 = arith.subi %div3A_6, %sub3A_27 : vector<16xi32>
    %select_n3A = arith.select %and3A, %sub3A_28, %div3A_6 : vector<16xi1>, vector<16xi32>
    %add3A_29 = arith.constant 16 : i32
    %add3A_30 = vector.broadcast %add3A_29 : i32 to vector<16xi32>
    %add3A_31 = arith.addi %iota3A, %add3A_30 : vector<16xi32>
    %jit3A_32 = arith.constant 8 : i32
    %div3A_33 = vector.broadcast %jit3A_32 : i32 to vector<16xi32>
    %div3A_34 = arith.divsi %add3A_31, %div3A_33 : vector<16xi32>
    %sign3A_35 = arith.constant 0 : i32
    %sign3A_36 = vector.broadcast %sign3A_35 : i32 to vector<16xi32>
    %sign3A_37 = arith.cmpi sgt, %add3A_31, %sign3A_36 : vector<16xi32>
    %sign3A_38 = arith.extui %sign3A_37 : vector<16xi1> to vector<16xi32>
    %sign3A_39 = arith.constant 0 : i32
    %sign3A_40 = vector.broadcast %sign3A_39 : i32 to vector<16xi32>
    %sign3A_41 = arith.cmpi slt, %add3A_31, %sign3A_40 : vector<16xi32>
    %sign3A_42 = arith.extui %sign3A_41 : vector<16xi1> to vector<16xi32>
    %sign3A_43 = arith.subi %sign3A_38, %sign3A_42 : vector<16xi32>
    %sign3A_44 = arith.constant 0 : i32
    %sign3A_45 = arith.cmpi sgt, %jit3A_32, %sign3A_44 : i32
    %sign3A_46 = arith.extui %sign3A_45 : i1 to i32
    %sign3A_47 = arith.constant 0 : i32
    %sign3A_48 = arith.cmpi slt, %jit3A_32, %sign3A_47 : i32
    %sign3A_49 = arith.extui %sign3A_48 : i1 to i32
    %sign3A_50 = arith.subi %sign3A_46, %sign3A_49 : i32
    %ne3A_51 = vector.broadcast %sign3A_50 : i32 to vector<16xi32>
    %ne3A_52 = arith.cmpi ne, %sign3A_43, %ne3A_51 : vector<16xi32>
    %rem3A_53 = vector.broadcast %jit3A_32 : i32 to vector<16xi32>
    %rem3A_54 = arith.remsi %add3A_31, %rem3A_53 : vector<16xi32>
    %ne3A_55 = arith.constant 0 : i32
    %ne3A_56 = vector.broadcast %ne3A_55 : i32 to vector<16xi32>
    %ne3A_57 = arith.cmpi ne, %rem3A_54, %ne3A_56 : vector<16xi32>
    %and3A_58 = arith.andi %ne3A_52, %ne3A_57 : vector<16xi1>
    %sub3A_59 = arith.constant 1 : i32
    %sub3A_60 = vector.broadcast %sub3A_59 : i32 to vector<16xi32>
    %sub3A_61 = arith.subi %div3A_34, %sub3A_60 : vector<16xi32>
    %select_n3A_62 = arith.select %and3A_58, %sub3A_61, %div3A_34 : vector<16xi1>, vector<16xi32>
    %add3A_63 = arith.constant 32 : i32
    %add3A_64 = vector.broadcast %add3A_63 : i32 to vector<16xi32>
    %add3A_65 = arith.addi %iota3A, %add3A_64 : vector<16xi32>
    %jit3A_66 = arith.constant 8 : i32
    %div3A_67 = vector.broadcast %jit3A_66 : i32 to vector<16xi32>
    %div3A_68 = arith.divsi %add3A_65, %div3A_67 : vector<16xi32>
    %sign3A_69 = arith.constant 0 : i32
    %sign3A_70 = vector.broadcast %sign3A_69 : i32 to vector<16xi32>
    %sign3A_71 = arith.cmpi sgt, %add3A_65, %sign3A_70 : vector<16xi32>
    %sign3A_72 = arith.extui %sign3A_71 : vector<16xi1> to vector<16xi32>
    %sign3A_73 = arith.constant 0 : i32
    %sign3A_74 = vector.broadcast %sign3A_73 : i32 to vector<16xi32>
    %sign3A_75 = arith.cmpi slt, %add3A_65, %sign3A_74 : vector<16xi32>
    %sign3A_76 = arith.extui %sign3A_75 : vector<16xi1> to vector<16xi32>
    %sign3A_77 = arith.subi %sign3A_72, %sign3A_76 : vector<16xi32>
    %sign3A_78 = arith.constant 0 : i32
    %sign3A_79 = arith.cmpi sgt, %jit3A_66, %sign3A_78 : i32
    %sign3A_80 = arith.extui %sign3A_79 : i1 to i32
    %sign3A_81 = arith.constant 0 : i32
    %sign3A_82 = arith.cmpi slt, %jit3A_66, %sign3A_81 : i32
    %sign3A_83 = arith.extui %sign3A_82 : i1 to i32
    %sign3A_84 = arith.subi %sign3A_80, %sign3A_83 : i32
    %ne3A_85 = vector.broadcast %sign3A_84 : i32 to vector<16xi32>
    %ne3A_86 = arith.cmpi ne, %sign3A_77, %ne3A_85 : vector<16xi32>
    %rem3A_87 = vector.broadcast %jit3A_66 : i32 to vector<16xi32>
    %rem3A_88 = arith.remsi %add3A_65, %rem3A_87 : vector<16xi32>
    %ne3A_89 = arith.constant 0 : i32
    %ne3A_90 = vector.broadcast %ne3A_89 : i32 to vector<16xi32>
    %ne3A_91 = arith.cmpi ne, %rem3A_88, %ne3A_90 : vector<16xi32>
    %and3A_92 = arith.andi %ne3A_86, %ne3A_91 : vector<16xi1>
    %sub3A_93 = arith.constant 1 : i32
    %sub3A_94 = vector.broadcast %sub3A_93 : i32 to vector<16xi32>
    %sub3A_95 = arith.subi %div3A_68, %sub3A_94 : vector<16xi32>
    %select_n3A_96 = arith.select %and3A_92, %sub3A_95, %div3A_68 : vector<16xi1>, vector<16xi32>
    %add3A_97 = arith.constant 48 : i32
    %add3A_98 = vector.broadcast %add3A_97 : i32 to vector<16xi32>
    %add3A_99 = arith.addi %iota3A, %add3A_98 : vector<16xi32>
    %jit3A_100 = arith.constant 8 : i32
    %div3A_101 = vector.broadcast %jit3A_100 : i32 to vector<16xi32>
    %div3A_102 = arith.divsi %add3A_99, %div3A_101 : vector<16xi32>
    %sign3A_103 = arith.constant 0 : i32
    %sign3A_104 = vector.broadcast %sign3A_103 : i32 to vector<16xi32>
    %sign3A_105 = arith.cmpi sgt, %add3A_99, %sign3A_104 : vector<16xi32>
    %sign3A_106 = arith.extui %sign3A_105 : vector<16xi1> to vector<16xi32>
    %sign3A_107 = arith.constant 0 : i32
    %sign3A_108 = vector.broadcast %sign3A_107 : i32 to vector<16xi32>
    %sign3A_109 = arith.cmpi slt, %add3A_99, %sign3A_108 : vector<16xi32>
    %sign3A_110 = arith.extui %sign3A_109 : vector<16xi1> to vector<16xi32>
    %sign3A_111 = arith.subi %sign3A_106, %sign3A_110 : vector<16xi32>
    %sign3A_112 = arith.constant 0 : i32
    %sign3A_113 = arith.cmpi sgt, %jit3A_100, %sign3A_112 : i32
    %sign3A_114 = arith.extui %sign3A_113 : i1 to i32
    %sign3A_115 = arith.constant 0 : i32
    %sign3A_116 = arith.cmpi slt, %jit3A_100, %sign3A_115 : i32
    %sign3A_117 = arith.extui %sign3A_116 : i1 to i32
    %sign3A_118 = arith.subi %sign3A_114, %sign3A_117 : i32
    %ne3A_119 = vector.broadcast %sign3A_118 : i32 to vector<16xi32>
    %ne3A_120 = arith.cmpi ne, %sign3A_111, %ne3A_119 : vector<16xi32>
    %rem3A_121 = vector.broadcast %jit3A_100 : i32 to vector<16xi32>
    %rem3A_122 = arith.remsi %add3A_99, %rem3A_121 : vector<16xi32>
    %ne3A_123 = arith.constant 0 : i32
    %ne3A_124 = vector.broadcast %ne3A_123 : i32 to vector<16xi32>
    %ne3A_125 = arith.cmpi ne, %rem3A_122, %ne3A_124 : vector<16xi32>
    %and3A_126 = arith.andi %ne3A_120, %ne3A_125 : vector<16xi1>
    %sub3A_127 = arith.constant 1 : i32
    %sub3A_128 = vector.broadcast %sub3A_127 : i32 to vector<16xi32>
    %sub3A_129 = arith.subi %div3A_102, %sub3A_128 : vector<16xi32>
    %select_n3A_130 = arith.select %and3A_126, %sub3A_129, %div3A_102 : vector<16xi1>, vector<16xi32>
    %jit3A_131 = arith.constant 8 : i32
    %eq3A = arith.constant 0 : i32
    %eq3A_132 = arith.cmpi eq, %jit3A_131, %eq3A : i32
    %jit3A_133 = arith.constant 1 : i32
    %select_n3A_134 = arith.select %eq3A_132, %jit3A_133, %jit3A_131 : i32
    %rem3A_135 = vector.broadcast %select_n3A_134 : i32 to vector<16xi32>
    %rem3A_136 = arith.remsi %iota3A, %rem3A_135 : vector<16xi32>
    %ne3A_137 = arith.constant 0 : i32
    %ne3A_138 = vector.broadcast %ne3A_137 : i32 to vector<16xi32>
    %ne3A_139 = arith.cmpi ne, %rem3A_136, %ne3A_138 : vector<16xi32>
    %lt3A = arith.constant 0 : i32
    %lt3A_140 = vector.broadcast %lt3A : i32 to vector<16xi32>
    %lt3A_141 = arith.cmpi slt, %rem3A_136, %lt3A_140 : vector<16xi32>
    %lt3A_142 = arith.constant 0 : i32
    %lt3A_143 = arith.cmpi slt, %select_n3A_134, %lt3A_142 : i32
    %ne3A_144 = vector.broadcast %lt3A_143 : i1 to vector<16xi1>
    %ne3A_145 = vector.broadcast %ne3A_144 : vector<16xi1> to vector<16xi1>
    %ne3A_146 = arith.xori %lt3A_141, %ne3A_145 : vector<16xi1>
    %and3A_147 = arith.andi %ne3A_146, %ne3A_139 : vector<16xi1>
    %add3A_148 = vector.broadcast %select_n3A_134 : i32 to vector<16xi32>
    %add3A_149 = arith.addi %rem3A_136, %add3A_148 : vector<16xi32>
    %select_n3A_150 = arith.select %and3A_147, %add3A_149, %rem3A_136 : vector<16xi1>, vector<16xi32>
    %mul3A_151 = arith.constant 128 : i32
    %mul3A_152 = arith.muli %mul3A_2, %mul3A_151 : i32
    "tpu.region"() ({
      %run_scoped3A = tpu.sem_alloc : memref<!tpu.dma_semaphore, #tpu.memory_space<semaphore_mem>>
      %dma_start3A_416 = tpu.memref_slice %arg2[%mul3A_152] : memref<819200xi32, #tpu.memory_space<hbm>> -> memref<25600xi32, #tpu.memory_space<hbm>>
      %dma_start3A_417 = tpu.memref_slice %arg2[%mul3A_152] : memref<819200xi32, #tpu.memory_space<hbm>> -> memref<25600xi32, #tpu.memory_space<hbm>>
      tpu.enqueue_dma source(%dma_start3A_417 : memref<25600xi32, #tpu.memory_space<hbm>>) target(%arg5 : memref<25600xi32, #tpu.memory_space<vmem>>) target_semaphore(%run_scoped3A : memref<!tpu.dma_semaphore, #tpu.memory_space<semaphore_mem>>)
      %dma_wait3A_418 = tpu.memref_slice %arg2[%mul3A_152] : memref<819200xi32, #tpu.memory_space<hbm>> -> memref<25600xi32, #tpu.memory_space<hbm>>
      %dma_wait3A_419 = tpu.memref_slice %arg2[%mul3A_152] : memref<819200xi32, #tpu.memory_space<hbm>> -> memref<25600xi32, #tpu.memory_space<hbm>>
      tpu.wait_dma2 semaphore(%run_scoped3A : memref<!tpu.dma_semaphore, #tpu.memory_space<semaphore_mem>>) src(%dma_wait3A_419 : memref<25600xi32, #tpu.memory_space<hbm>>) dst(%arg5 : memref<25600xi32, #tpu.memory_space<vmem>>)
      tpu.yield
    }) : () -> ()
    %dma_start3A = arith.constant 0 : i32
    %dma_start3A_153 = tpu.memref_slice %arg5[%dma_start3A] : memref<25600xi32, #tpu.memory_space<vmem>> -> memref<128xi32, #tpu.memory_space<vmem>>
    %dma_start3A_154 = arith.constant 0 : i32
    %dma_start3A_155 = arith.constant 0 : i32
    %dma_start3A_156 = tpu.memref_slice %arg3[%dma_start3A_154, %dma_start3A_155] : memref<1000000x64xf32, #tpu.memory_space<hbm>> -> memref<1000000x64xf32, #tpu.memory_space<hbm>>
    tpu.enqueue_indirect_dma source(%dma_start3A_156 : memref<1000000x64xf32, #tpu.memory_space<hbm>>) target(%arg6 : memref<128x64xf32, #tpu.memory_space<vmem>>) offsets(%dma_start3A_153 : memref<128xi32, #tpu.memory_space<vmem>>) semaphore(%arg14 : memref<!tpu.dma_semaphore, #tpu.memory_space<semaphore_mem>>)
    %dma_start3A_157 = arith.constant 128 : i32
    %dma_start3A_158 = tpu.memref_slice %arg5[%dma_start3A_157] : memref<25600xi32, #tpu.memory_space<vmem>> -> memref<128xi32, #tpu.memory_space<vmem>>
    %dma_start3A_159 = arith.constant 0 : i32
    %dma_start3A_160 = arith.constant 0 : i32
    %dma_start3A_161 = tpu.memref_slice %arg3[%dma_start3A_159, %dma_start3A_160] : memref<1000000x64xf32, #tpu.memory_space<hbm>> -> memref<1000000x64xf32, #tpu.memory_space<hbm>>
    tpu.enqueue_indirect_dma source(%dma_start3A_161 : memref<1000000x64xf32, #tpu.memory_space<hbm>>) target(%arg7 : memref<128x64xf32, #tpu.memory_space<vmem>>) offsets(%dma_start3A_158 : memref<128xi32, #tpu.memory_space<vmem>>) semaphore(%arg15 : memref<!tpu.dma_semaphore, #tpu.memory_space<semaphore_mem>>)
    %dma_start3A_162 = arith.constant 256 : i32
    %dma_start3A_163 = tpu.memref_slice %arg5[%dma_start3A_162] : memref<25600xi32, #tpu.memory_space<vmem>> -> memref<128xi32, #tpu.memory_space<vmem>>
    %dma_start3A_164 = arith.constant 0 : i32
    %dma_start3A_165 = arith.constant 0 : i32
    %dma_start3A_166 = tpu.memref_slice %arg3[%dma_start3A_164, %dma_start3A_165] : memref<1000000x64xf32, #tpu.memory_space<hbm>> -> memref<1000000x64xf32, #tpu.memory_space<hbm>>
    tpu.enqueue_indirect_dma source(%dma_start3A_166 : memref<1000000x64xf32, #tpu.memory_space<hbm>>) target(%arg8 : memref<128x64xf32, #tpu.memory_space<vmem>>) offsets(%dma_start3A_163 : memref<128xi32, #tpu.memory_space<vmem>>) semaphore(%arg16 : memref<!tpu.dma_semaphore, #tpu.memory_space<semaphore_mem>>)
    %dma_start3A_167 = arith.constant 384 : i32
    %dma_start3A_168 = tpu.memref_slice %arg5[%dma_start3A_167] : memref<25600xi32, #tpu.memory_space<vmem>> -> memref<128xi32, #tpu.memory_space<vmem>>
    %dma_start3A_169 = arith.constant 0 : i32
    %dma_start3A_170 = arith.constant 0 : i32
    %dma_start3A_171 = tpu.memref_slice %arg3[%dma_start3A_169, %dma_start3A_170] : memref<1000000x64xf32, #tpu.memory_space<hbm>> -> memref<1000000x64xf32, #tpu.memory_space<hbm>>
    tpu.enqueue_indirect_dma source(%dma_start3A_171 : memref<1000000x64xf32, #tpu.memory_space<hbm>>) target(%arg9 : memref<128x64xf32, #tpu.memory_space<vmem>>) offsets(%dma_start3A_168 : memref<128xi32, #tpu.memory_space<vmem>>) semaphore(%arg17 : memref<!tpu.dma_semaphore, #tpu.memory_space<semaphore_mem>>)
    %scan3A = arith.constant 0 : i32
    %scan3A_172 = arith.constant 0 : i32
    %scan3A_173 = arith.constant 50 : i32
    %scan3A_174 = arith.addi %scan3A_172, %scan3A_173 : i32
    %scan3A_175 = arith.constant 1 : i32
    scf.for %scan3A_416 = %scan3A_172 to %scan3A_174 step %scan3A_175  : i32 {
      %mul3A_417 = arith.constant 4 : i32
      %mul3A_418 = arith.muli %scan3A_416, %mul3A_417 : i32
      %add3A_419 = arith.constant 0 : i32
      %add3A_420 = arith.addi %mul3A_418, %add3A_419 : i32
      %mul3A_421 = arith.constant 128 : i32
      %mul3A_422 = arith.muli %add3A_420, %mul3A_421 : i32
      %dma_wait3A_423 = tpu.memref_slice %arg5[%mul3A_422] : memref<25600xi32, #tpu.memory_space<vmem>> -> memref<128xi32, #tpu.memory_space<vmem>>
      %dma_wait3A_424 = arith.constant 0 : i32
      %dma_wait3A_425 = arith.constant 0 : i32
      %dma_wait3A_426 = tpu.memref_slice %arg3[%dma_wait3A_424, %dma_wait3A_425] : memref<1000000x64xf32, #tpu.memory_space<hbm>> -> memref<1000000x64xf32, #tpu.memory_space<hbm>>
      tpu.wait_indirect_dma semaphore(%arg14 : memref<!tpu.dma_semaphore, #tpu.memory_space<semaphore_mem>>) src(%dma_wait3A_426 : memref<1000000x64xf32, #tpu.memory_space<hbm>>) dst(%arg6 : memref<128x64xf32, #tpu.memory_space<vmem>>)
      %gt3A = arith.constant 0 : i32
      %gt3A_427 = arith.cmpi sgt, %scan3A_416, %gt3A : i32
      %convert_element_type3A = arith.extui %gt3A_427 : i1 to i32
      %cond3A = arith.constant 0 : i32
      %cond3A_428 = arith.cmpi ne, %convert_element_type3A, %cond3A : i32
      scf.if %cond3A_428 {
        %sub3A_754 = arith.constant 4 : i32
        %sub3A_755 = arith.subi %add3A_420, %sub3A_754 : i32
        %add3A_756 = arith.addi %mul3A_2, %sub3A_755 : i32
        %jit3A_757 = arith.constant 32 : i32
        %div3A_758 = arith.divsi %add3A_756, %jit3A_757 : i32
        %sign3A_759 = arith.constant 0 : i32
        %sign3A_760 = arith.cmpi sgt, %add3A_756, %sign3A_759 : i32
        %sign3A_761 = arith.extui %sign3A_760 : i1 to i32
        %sign3A_762 = arith.constant 0 : i32
        %sign3A_763 = arith.cmpi slt, %add3A_756, %sign3A_762 : i32
        %sign3A_764 = arith.extui %sign3A_763 : i1 to i32
        %sign3A_765 = arith.subi %sign3A_761, %sign3A_764 : i32
        %sign3A_766 = arith.constant 0 : i32
        %sign3A_767 = arith.cmpi sgt, %jit3A_757, %sign3A_766 : i32
        %sign3A_768 = arith.extui %sign3A_767 : i1 to i32
        %sign3A_769 = arith.constant 0 : i32
        %sign3A_770 = arith.cmpi slt, %jit3A_757, %sign3A_769 : i32
        %sign3A_771 = arith.extui %sign3A_770 : i1 to i32
        %sign3A_772 = arith.subi %sign3A_768, %sign3A_771 : i32
        %ne3A_773 = arith.cmpi ne, %sign3A_765, %sign3A_772 : i32
        %rem3A_774 = arith.remsi %add3A_756, %jit3A_757 : i32
        %ne3A_775 = arith.constant 0 : i32
        %ne3A_776 = arith.cmpi ne, %rem3A_774, %ne3A_775 : i32
        %and3A_777 = arith.andi %ne3A_773, %ne3A_776 : i1
        %sub3A_778 = arith.constant 1 : i32
        %sub3A_779 = arith.subi %div3A_758, %sub3A_778 : i32
        %select_n3A_780 = arith.select %and3A_777, %sub3A_779, %div3A_758 : i32
        %jit3A_781 = arith.constant 32 : i32
        %eq3A_782 = arith.constant 0 : i32
        %eq3A_783 = arith.cmpi eq, %jit3A_781, %eq3A_782 : i32
        %jit3A_784 = arith.constant 1 : i32
        %select_n3A_785 = arith.select %eq3A_783, %jit3A_784, %jit3A_781 : i32
        %rem3A_786 = arith.remsi %add3A_756, %select_n3A_785 : i32
        %ne3A_787 = arith.constant 0 : i32
        %ne3A_788 = arith.cmpi ne, %rem3A_786, %ne3A_787 : i32
        %lt3A_789 = arith.constant 0 : i32
        %lt3A_790 = arith.cmpi slt, %rem3A_786, %lt3A_789 : i32
        %lt3A_791 = arith.constant 0 : i32
        %lt3A_792 = arith.cmpi slt, %select_n3A_785, %lt3A_791 : i32
        %ne3A_793 = arith.xori %lt3A_790, %lt3A_792 : i1
        %and3A_794 = arith.andi %ne3A_793, %ne3A_788 : i1
        %add3A_795 = arith.addi %rem3A_786, %select_n3A_785 : i32
        %select_n3A_796 = arith.select %and3A_794, %add3A_795, %rem3A_786 : i32
        %dma_wait3A_797 = arith.constant 0 : i32
        %dma_wait3A_798 = arith.constant 0 : i32
        %dma_wait3A_799 = arith.constant 0 : i32
        %dma_wait3A_800 = tpu.memref_slice %arg10[%dma_wait3A_797, %dma_wait3A_798, %dma_wait3A_799] : memref<8x8x129xf32, #tpu.memory_space<vmem>> -> memref<8x8x128xf32, #tpu.memory_space<vmem>>
        %dma_wait3A_801 = arith.constant 0 : i32
        %dma_wait3A_802 = arith.constant 0 : i32
        %dma_wait3A_803 = arith.constant 0 : i32
        %dma_wait3A_804 = tpu.memref_slice %arg4[%select_n3A_780, %dma_wait3A_801, %select_n3A_796, %dma_wait3A_802, %dma_wait3A_803] : memref<200x8x32x8x128xf32, #tpu.memory_space<hbm>> -> memref<1x8x1x8x128xf32, #tpu.memory_space<hbm>>
        %dma_wait3A_805 = tpu.memref_squeeze %dma_wait3A_804 : memref<1x8x1x8x128xf32, #tpu.memory_space<hbm>> -> memref<8x8x128xf32, #tpu.memory_space<hbm>>
        %dma_wait3A_806 = arith.constant 0 : i32
        %dma_wait3A_807 = arith.constant 0 : i32
        %dma_wait3A_808 = arith.constant 0 : i32
        %dma_wait3A_809 = tpu.memref_slice %arg4[%select_n3A_780, %dma_wait3A_806, %select_n3A_796, %dma_wait3A_807, %dma_wait3A_808] : memref<200x8x32x8x128xf32, #tpu.memory_space<hbm>> -> memref<1x8x1x8x128xf32, #tpu.memory_space<hbm>>
        %dma_wait3A_810 = tpu.memref_squeeze %dma_wait3A_809 : memref<1x8x1x8x128xf32, #tpu.memory_space<hbm>> -> memref<8x8x128xf32, #tpu.memory_space<hbm>>
        %dma_wait3A_811 = arith.constant 0 : i32
        %dma_wait3A_812 = arith.constant 0 : i32
        %dma_wait3A_813 = arith.constant 0 : i32
        %dma_wait3A_814 = tpu.memref_slice %arg10[%dma_wait3A_811, %dma_wait3A_812, %dma_wait3A_813] : memref<8x8x129xf32, #tpu.memory_space<vmem>> -> memref<8x8x128xf32, #tpu.memory_space<vmem>>
        tpu.wait_dma2 semaphore(%arg18 : memref<!tpu.dma_semaphore, #tpu.memory_space<semaphore_mem>>) src(%dma_wait3A_814 : memref<8x8x128xf32, #tpu.memory_space<vmem>>) dst(%dma_wait3A_810 : memref<8x8x128xf32, #tpu.memory_space<hbm>>)
      } else {
      }
      %scan3A_429 = arith.constant 0 : i32
      %scan3A_430 = arith.constant 0 : i32
      %scan3A_431 = arith.constant 32 : i32
      %scan3A_432 = arith.addi %scan3A_430, %scan3A_431 : i32
      %scan3A_433 = arith.constant 1 : i32
      scf.for %scan3A_754 = %scan3A_430 to %scan3A_432 step %scan3A_433  : i32 {
        %mul3A_755 = arith.constant 4 : i32
        %mul3A_756 = arith.muli %scan3A_754, %mul3A_755 : i32
        %broadcast_in_dim3A = arith.constant 0 : i32
        %broadcast_in_dim3A_757 = vector.broadcast %broadcast_in_dim3A : i32 to vector<16xi32>
        %add3A_758 = arith.constant 0 : i32
        %add3A_759 = arith.addi %mul3A_756, %add3A_758 : i32
        %add3A_760 = vector.broadcast %add3A_759 : i32 to vector<16xi32>
        %add3A_761 = arith.addi %broadcast_in_dim3A_757, %add3A_760 : vector<16xi32>
        %broadcast_in_dim3A_762 = arith.constant 0 : i32
        %broadcast_in_dim3A_763 = vector.broadcast %broadcast_in_dim3A_762 : i32 to vector<16xi32>
        %add3A_764 = arith.constant 1 : i32
        %add3A_765 = arith.addi %mul3A_756, %add3A_764 : i32
        %add3A_766 = vector.broadcast %add3A_765 : i32 to vector<16xi32>
        %add3A_767 = arith.addi %broadcast_in_dim3A_763, %add3A_766 : vector<16xi32>
        %broadcast_in_dim3A_768 = arith.constant 0 : i32
        %broadcast_in_dim3A_769 = vector.broadcast %broadcast_in_dim3A_768 : i32 to vector<16xi32>
        %add3A_770 = arith.constant 2 : i32
        %add3A_771 = arith.addi %mul3A_756, %add3A_770 : i32
        %add3A_772 = vector.broadcast %add3A_771 : i32 to vector<16xi32>
        %add3A_773 = arith.addi %broadcast_in_dim3A_769, %add3A_772 : vector<16xi32>
        %broadcast_in_dim3A_774 = arith.constant 0 : i32
        %broadcast_in_dim3A_775 = vector.broadcast %broadcast_in_dim3A_774 : i32 to vector<16xi32>
        %add3A_776 = arith.constant 3 : i32
        %add3A_777 = arith.addi %mul3A_756, %add3A_776 : i32
        %add3A_778 = vector.broadcast %add3A_777 : i32 to vector<16xi32>
        %add3A_779 = arith.addi %broadcast_in_dim3A_775, %add3A_778 : vector<16xi32>
        %add3A_780 = arith.constant 0 : i32
        %add3A_781 = arith.addi %mul3A_756, %add3A_780 : i32
        %get3A = arith.index_cast %add3A_781 : i32 to index
        %get3A_782 = arith.constant 0 : index
        %get3A_783 = tpu.vector_load %arg6[%get3A, %get3A_782] {strides = array<i32>} : memref<128x64xf32, #tpu.memory_space<vmem>>, vector<16xf32>,
        %add3A_784 = arith.constant 0 : i32
        %add3A_785 = arith.addi %mul3A_756, %add3A_784 : i32
        %get3A_786 = arith.index_cast %add3A_785 : i32 to index
        %get3A_787 = arith.constant 16 : index
        %get3A_788 = tpu.vector_load %arg6[%get3A_786, %get3A_787] {strides = array<i32>} : memref<128x64xf32, #tpu.memory_space<vmem>>, vector<16xf32>,
        %add3A_789 = arith.constant 0 : i32
        %add3A_790 = arith.addi %mul3A_756, %add3A_789 : i32
        %get3A_791 = arith.index_cast %add3A_790 : i32 to index
        %get3A_792 = arith.constant 32 : index
        %get3A_793 = tpu.vector_load %arg6[%get3A_791, %get3A_792] {strides = array<i32>} : memref<128x64xf32, #tpu.memory_space<vmem>>, vector<16xf32>,
        %add3A_794 = arith.constant 0 : i32
        %add3A_795 = arith.addi %mul3A_756, %add3A_794 : i32
        %get3A_796 = arith.index_cast %add3A_795 : i32 to index
        %get3A_797 = arith.constant 48 : index
        %get3A_798 = tpu.vector_load %arg6[%get3A_796, %get3A_797] {strides = array<i32>} : memref<128x64xf32, #tpu.memory_space<vmem>>, vector<16xf32>,
        %add3A_799 = arith.constant 1 : i32
        %add3A_800 = arith.addi %mul3A_756, %add3A_799 : i32
        %get3A_801 = arith.index_cast %add3A_800 : i32 to index
        %get3A_802 = arith.constant 0 : index
        %get3A_803 = tpu.vector_load %arg6[%get3A_801, %get3A_802] {strides = array<i32>} : memref<128x64xf32, #tpu.memory_space<vmem>>, vector<16xf32>,
        %add3A_804 = arith.constant 1 : i32
        %add3A_805 = arith.addi %mul3A_756, %add3A_804 : i32
        %get3A_806 = arith.index_cast %add3A_805 : i32 to index
        %get3A_807 = arith.constant 16 : index
        %get3A_808 = tpu.vector_load %arg6[%get3A_806, %get3A_807] {strides = array<i32>} : memref<128x64xf32, #tpu.memory_space<vmem>>, vector<16xf32>,
        %add3A_809 = arith.constant 1 : i32
        %add3A_810 = arith.addi %mul3A_756, %add3A_809 : i32
        %get3A_811 = arith.index_cast %add3A_810 : i32 to index
        %get3A_812 = arith.constant 32 : index
        %get3A_813 = tpu.vector_load %arg6[%get3A_811, %get3A_812] {strides = array<i32>} : memref<128x64xf32, #tpu.memory_space<vmem>>, vector<16xf32>,
        %add3A_814 = arith.constant 1 : i32
        %add3A_815 = arith.addi %mul3A_756, %add3A_814 : i32
        %get3A_816 = arith.index_cast %add3A_815 : i32 to index
        %get3A_817 = arith.constant 48 : index
        %get3A_818 = tpu.vector_load %arg6[%get3A_816, %get3A_817] {strides = array<i32>} : memref<128x64xf32, #tpu.memory_space<vmem>>, vector<16xf32>,
        %add3A_819 = arith.constant 2 : i32
        %add3A_820 = arith.addi %mul3A_756, %add3A_819 : i32
        %get3A_821 = arith.index_cast %add3A_820 : i32 to index
        %get3A_822 = arith.constant 0 : index
        %get3A_823 = tpu.vector_load %arg6[%get3A_821, %get3A_822] {strides = array<i32>} : memref<128x64xf32, #tpu.memory_space<vmem>>, vector<16xf32>,
        %add3A_824 = arith.constant 2 : i32
        %add3A_825 = arith.addi %mul3A_756, %add3A_824 : i32
        %get3A_826 = arith.index_cast %add3A_825 : i32 to index
        %get3A_827 = arith.constant 16 : index
        %get3A_828 = tpu.vector_load %arg6[%get3A_826, %get3A_827] {strides = array<i32>} : memref<128x64xf32, #tpu.memory_space<vmem>>, vector<16xf32>,
        %add3A_829 = arith.constant 2 : i32
        %add3A_830 = arith.addi %mul3A_756, %add3A_829 : i32
        %get3A_831 = arith.index_cast %add3A_830 : i32 to index
        %get3A_832 = arith.constant 32 : index
        %get3A_833 = tpu.vector_load %arg6[%get3A_831, %get3A_832] {strides = array<i32>} : memref<128x64xf32, #tpu.memory_space<vmem>>, vector<16xf32>,
        %add3A_834 = arith.constant 2 : i32
        %add3A_835 = arith.addi %mul3A_756, %add3A_834 : i32
        %get3A_836 = arith.index_cast %add3A_835 : i32 to index
        %get3A_837 = arith.constant 48 : index
        %get3A_838 = tpu.vector_load %arg6[%get3A_836, %get3A_837] {strides = array<i32>} : memref<128x64xf32, #tpu.memory_space<vmem>>, vector<16xf32>,
        %add3A_839 = arith.constant 3 : i32
        %add3A_840 = arith.addi %mul3A_756, %add3A_839 : i32
        %get3A_841 = arith.index_cast %add3A_840 : i32 to index
        %get3A_842 = arith.constant 0 : index
        %get3A_843 = tpu.vector_load %arg6[%get3A_841, %get3A_842] {strides = array<i32>} : memref<128x64xf32, #tpu.memory_space<vmem>>, vector<16xf32>,
        %add3A_844 = arith.constant 3 : i32
        %add3A_845 = arith.addi %mul3A_756, %add3A_844 : i32
        %get3A_846 = arith.index_cast %add3A_845 : i32 to index
        %get3A_847 = arith.constant 16 : index
        %get3A_848 = tpu.vector_load %arg6[%get3A_846, %get3A_847] {strides = array<i32>} : memref<128x64xf32, #tpu.memory_space<vmem>>, vector<16xf32>,
        %add3A_849 = arith.constant 3 : i32
        %add3A_850 = arith.addi %mul3A_756, %add3A_849 : i32
        %get3A_851 = arith.index_cast %add3A_850 : i32 to index
        %get3A_852 = arith.constant 32 : index
        %get3A_853 = tpu.vector_load %arg6[%get3A_851, %get3A_852] {strides = array<i32>} : memref<128x64xf32, #tpu.memory_space<vmem>>, vector<16xf32>,
        %add3A_854 = arith.constant 3 : i32
        %add3A_855 = arith.addi %mul3A_756, %add3A_854 : i32
        %get3A_856 = arith.index_cast %add3A_855 : i32 to index
        %get3A_857 = arith.constant 48 : index
        %get3A_858 = tpu.vector_load %arg6[%get3A_856, %get3A_857] {strides = array<i32>} : memref<128x64xf32, #tpu.memory_space<vmem>>, vector<16xf32>,
        tpu.vector_store_idx %arg10[%select_n3A, %select_n3A_150, %add3A_761], %get3A_783 : memref<8x8x129xf32, #tpu.memory_space<vmem>>[vector<16xi32>, vector<16xi32>, vector<16xi32>], vector<16xf32>,
        tpu.vector_store_idx %arg10[%select_n3A_62, %select_n3A_150, %add3A_761], %get3A_788 : memref<8x8x129xf32, #tpu.memory_space<vmem>>[vector<16xi32>, vector<16xi32>, vector<16xi32>], vector<16xf32>,
        tpu.vector_store_idx %arg10[%select_n3A_96, %select_n3A_150, %add3A_761], %get3A_793 : memref<8x8x129xf32, #tpu.memory_space<vmem>>[vector<16xi32>, vector<16xi32>, vector<16xi32>], vector<16xf32>,
        tpu.vector_store_idx %arg10[%select_n3A_130, %select_n3A_150, %add3A_761], %get3A_798 : memref<8x8x129xf32, #tpu.memory_space<vmem>>[vector<16xi32>, vector<16xi32>, vector<16xi32>], vector<16xf32>,
        tpu.vector_store_idx %arg10[%select_n3A, %select_n3A_150, %add3A_767], %get3A_803 : memref<8x8x129xf32, #tpu.memory_space<vmem>>[vector<16xi32>, vector<16xi32>, vector<16xi32>], vector<16xf32>,
        tpu.vector_store_idx %arg10[%select_n3A_62, %select_n3A_150, %add3A_767], %get3A_808 : memref<8x8x129xf32, #tpu.memory_space<vmem>>[vector<16xi32>, vector<16xi32>, vector<16xi32>], vector<16xf32>,
        tpu.vector_store_idx %arg10[%select_n3A_96, %select_n3A_150, %add3A_767], %get3A_813 : memref<8x8x129xf32, #tpu.memory_space<vmem>>[vector<16xi32>, vector<16xi32>, vector<16xi32>], vector<16xf32>,
        tpu.vector_store_idx %arg10[%select_n3A_130, %select_n3A_150, %add3A_767], %get3A_818 : memref<8x8x129xf32, #tpu.memory_space<vmem>>[vector<16xi32>, vector<16xi32>, vector<16xi32>], vector<16xf32>,
        tpu.vector_store_idx %arg10[%select_n3A, %select_n3A_150, %add3A_773], %get3A_823 : memref<8x8x129xf32, #tpu.memory_space<vmem>>[vector<16xi32>, vector<16xi32>, vector<16xi32>], vector<16xf32>,
        tpu.vector_store_idx %arg10[%select_n3A_62, %select_n3A_150, %add3A_773], %get3A_828 : memref<8x8x129xf32, #tpu.memory_space<vmem>>[vector<16xi32>, vector<16xi32>, vector<16xi32>], vector<16xf32>,
        tpu.vector_store_idx %arg10[%select_n3A_96, %select_n3A_150, %add3A_773], %get3A_833 : memref<8x8x129xf32, #tpu.memory_space<vmem>>[vector<16xi32>, vector<16xi32>, vector<16xi32>], vector<16xf32>,
        tpu.vector_store_idx %arg10[%select_n3A_130, %select_n3A_150, %add3A_773], %get3A_838 : memref<8x8x129xf32, #tpu.memory_space<vmem>>[vector<16xi32>, vector<16xi32>, vector<16xi32>], vector<16xf32>,
        tpu.vector_store_idx %arg10[%select_n3A, %select_n3A_150, %add3A_779], %get3A_843 : memref<8x8x129xf32, #tpu.memory_space<vmem>>[vector<16xi32>, vector<16xi32>, vector<16xi32>], vector<16xf32>,
        tpu.vector_store_idx %arg10[%select_n3A_62, %select_n3A_150, %add3A_779], %get3A_848 : memref<8x8x129xf32, #tpu.memory_space<vmem>>[vector<16xi32>, vector<16xi32>, vector<16xi32>], vector<16xf32>,
        tpu.vector_store_idx %arg10[%select_n3A_96, %select_n3A_150, %add3A_779], %get3A_853 : memref<8x8x129xf32, #tpu.memory_space<vmem>>[vector<16xi32>, vector<16xi32>, vector<16xi32>], vector<16xf32>,
        tpu.vector_store_idx %arg10[%select_n3A_130, %select_n3A_150, %add3A_779], %get3A_858 : memref<8x8x129xf32, #tpu.memory_space<vmem>>[vector<16xi32>, vector<16xi32>, vector<16xi32>], vector<16xf32>,
      }
      %scan3A_434 = arith.constant 32 : i32
      %add3A_435 = arith.addi %mul3A_2, %add3A_420 : i32
      %jit3A_436 = arith.constant 32 : i32
      %div3A_437 = arith.divsi %add3A_435, %jit3A_436 : i32
      %sign3A_438 = arith.constant 0 : i32
      %sign3A_439 = arith.cmpi sgt, %add3A_435, %sign3A_438 : i32
      %sign3A_440 = arith.extui %sign3A_439 : i1 to i32
      %sign3A_441 = arith.constant 0 : i32
      %sign3A_442 = arith.cmpi slt, %add3A_435, %sign3A_441 : i32
      %sign3A_443 = arith.extui %sign3A_442 : i1 to i32
      %sign3A_444 = arith.subi %sign3A_440, %sign3A_443 : i32
      %sign3A_445 = arith.constant 0 : i32
      %sign3A_446 = arith.cmpi sgt, %jit3A_436, %sign3A_445 : i32
      %sign3A_447 = arith.extui %sign3A_446 : i1 to i32
      %sign3A_448 = arith.constant 0 : i32
      %sign3A_449 = arith.cmpi slt, %jit3A_436, %sign3A_448 : i32
      %sign3A_450 = arith.extui %sign3A_449 : i1 to i32
      %sign3A_451 = arith.subi %sign3A_447, %sign3A_450 : i32
      %ne3A_452 = arith.cmpi ne, %sign3A_444, %sign3A_451 : i32
      %rem3A_453 = arith.remsi %add3A_435, %jit3A_436 : i32
      %ne3A_454 = arith.constant 0 : i32
      %ne3A_455 = arith.cmpi ne, %rem3A_453, %ne3A_454 : i32
      %and3A_456 = arith.andi %ne3A_452, %ne3A_455 : i1
      %sub3A_457 = arith.constant 1 : i32
      %sub3A_458 = arith.subi %div3A_437, %sub3A_457 : i32
      %select_n3A_459 = arith.select %and3A_456, %sub3A_458, %div3A_437 : i32
      %jit3A_460 = arith.constant 32 : i32
      %eq3A_461 = arith.constant 0 : i32
      %eq3A_462 = arith.cmpi eq, %jit3A_460, %eq3A_461 : i32
      %jit3A_463 = arith.constant 1 : i32
      %select_n3A_464 = arith.select %eq3A_462, %jit3A_463, %jit3A_460 : i32
      %rem3A_465 = arith.remsi %add3A_435, %select_n3A_464 : i32
      %ne3A_466 = arith.constant 0 : i32
      %ne3A_467 = arith.cmpi ne, %rem3A_465, %ne3A_466 : i32
      %lt3A_468 = arith.constant 0 : i32
      %lt3A_469 = arith.cmpi slt, %rem3A_465, %lt3A_468 : i32
      %lt3A_470 = arith.constant 0 : i32
      %lt3A_471 = arith.cmpi slt, %select_n3A_464, %lt3A_470 : i32
      %ne3A_472 = arith.xori %lt3A_469, %lt3A_471 : i1
      %and3A_473 = arith.andi %ne3A_472, %ne3A_467 : i1
      %add3A_474 = arith.addi %rem3A_465, %select_n3A_464 : i32
      %select_n3A_475 = arith.select %and3A_473, %add3A_474, %rem3A_465 : i32
      %dma_start3A_476 = arith.constant 0 : i32
      %dma_start3A_477 = arith.constant 0 : i32
      %dma_start3A_478 = arith.constant 0 : i32
      %dma_start3A_479 = tpu.memref_slice %arg10[%dma_start3A_476, %dma_start3A_477, %dma_start3A_478] : memref<8x8x129xf32, #tpu.memory_space<vmem>> -> memref<8x8x128xf32, #tpu.memory_space<vmem>>
      %dma_start3A_480 = arith.constant 0 : i32
      %dma_start3A_481 = arith.constant 0 : i32
      %dma_start3A_482 = arith.constant 0 : i32
      %dma_start3A_483 = tpu.memref_slice %arg4[%select_n3A_459, %dma_start3A_480, %select_n3A_475, %dma_start3A_481, %dma_start3A_482] : memref<200x8x32x8x128xf32, #tpu.memory_space<hbm>> -> memref<1x8x1x8x128xf32, #tpu.memory_space<hbm>>
      %dma_start3A_484 = tpu.memref_squeeze %dma_start3A_483 : memref<1x8x1x8x128xf32, #tpu.memory_space<hbm>> -> memref<8x8x128xf32, #tpu.memory_space<hbm>>
      %dma_start3A_485 = arith.constant 0 : i32
      %dma_start3A_486 = arith.constant 0 : i32
      %dma_start3A_487 = arith.constant 0 : i32
      %dma_start3A_488 = tpu.memref_slice %arg4[%select_n3A_459, %dma_start3A_485, %select_n3A_475, %dma_start3A_486, %dma_start3A_487] : memref<200x8x32x8x128xf32, #tpu.memory_space<hbm>> -> memref<1x8x1x8x128xf32, #tpu.memory_space<hbm>>
      %dma_start3A_489 = tpu.memref_squeeze %dma_start3A_488 : memref<1x8x1x8x128xf32, #tpu.memory_space<hbm>> -> memref<8x8x128xf32, #tpu.memory_space<hbm>>
      %dma_start3A_490 = arith.constant 0 : i32
      %dma_start3A_491 = arith.constant 0 : i32
      %dma_start3A_492 = arith.constant 0 : i32
      %dma_start3A_493 = tpu.memref_slice %arg10[%dma_start3A_490, %dma_start3A_491, %dma_start3A_492] : memref<8x8x129xf32, #tpu.memory_space<vmem>> -> memref<8x8x128xf32, #tpu.memory_space<vmem>>
      tpu.enqueue_dma source(%dma_start3A_493 : memref<8x8x128xf32, #tpu.memory_space<vmem>>) target(%dma_start3A_489 : memref<8x8x128xf32, #tpu.memory_space<hbm>>) target_semaphore(%arg18 : memref<!tpu.dma_semaphore, #tpu.memory_space<semaphore_mem>>)
      %lt3A_494 = arith.constant 49 : i32
      %lt3A_495 = arith.cmpi slt, %scan3A_416, %lt3A_494 : i32
      %convert_element_type3A_496 = arith.extui %lt3A_495 : i1 to i32
      %cond3A_497 = arith.constant 0 : i32
      %cond3A_498 = arith.cmpi ne, %convert_element_type3A_496, %cond3A_497 : i32
      scf.if %cond3A_498 {
        %add3A_754 = arith.constant 4 : i32
        %add3A_755 = arith.addi %add3A_420, %add3A_754 : i32
        %mul3A_756 = arith.constant 128 : i32
        %mul3A_757 = arith.muli %add3A_755, %mul3A_756 : i32
        %dma_start3A_758 = tpu.memref_slice %arg5[%mul3A_757] : memref<25600xi32, #tpu.memory_space<vmem>> -> memref<128xi32, #tpu.memory_space<vmem>>
        %dma_start3A_759 = arith.constant 0 : i32
        %dma_start3A_760 = arith.constant 0 : i32
        %dma_start3A_761 = tpu.memref_slice %arg3[%dma_start3A_759, %dma_start3A_760] : memref<1000000x64xf32, #tpu.memory_space<hbm>> -> memref<1000000x64xf32, #tpu.memory_space<hbm>>
        tpu.enqueue_indirect_dma source(%dma_start3A_761 : memref<1000000x64xf32, #tpu.memory_space<hbm>>) target(%arg6 : memref<128x64xf32, #tpu.memory_space<vmem>>) offsets(%dma_start3A_758 : memref<128xi32, #tpu.memory_space<vmem>>) semaphore(%arg14 : memref<!tpu.dma_semaphore, #tpu.memory_space<semaphore_mem>>)
      } else {
      }
      %mul3A_499 = arith.constant 4 : i32
      %mul3A_500 = arith.muli %scan3A_416, %mul3A_499 : i32
      %add3A_501 = arith.constant 1 : i32
      %add3A_502 = arith.addi %mul3A_500, %add3A_501 : i32
      %mul3A_503 = arith.constant 128 : i32
      %mul3A_504 = arith.muli %add3A_502, %mul3A_503 : i32
      %dma_wait3A_505 = tpu.memref_slice %arg5[%mul3A_504] : memref<25600xi32, #tpu.memory_space<vmem>> -> memref<128xi32, #tpu.memory_space<vmem>>
      %dma_wait3A_506 = arith.constant 0 : i32
      %dma_wait3A_507 = arith.constant 0 : i32
      %dma_wait3A_508 = tpu.memref_slice %arg3[%dma_wait3A_506, %dma_wait3A_507] : memref<1000000x64xf32, #tpu.memory_space<hbm>> -> memref<1000000x64xf32, #tpu.memory_space<hbm>>
      tpu.wait_indirect_dma semaphore(%arg15 : memref<!tpu.dma_semaphore, #tpu.memory_space<semaphore_mem>>) src(%dma_wait3A_508 : memref<1000000x64xf32, #tpu.memory_space<hbm>>) dst(%arg7 : memref<128x64xf32, #tpu.memory_space<vmem>>)
      %gt3A_509 = arith.constant 0 : i32
      %gt3A_510 = arith.cmpi sgt, %scan3A_416, %gt3A_509 : i32
      %convert_element_type3A_511 = arith.extui %gt3A_510 : i1 to i32
      %cond3A_512 = arith.constant 0 : i32
      %cond3A_513 = arith.cmpi ne, %convert_element_type3A_511, %cond3A_512 : i32
      scf.if %cond3A_513 {
        %sub3A_754 = arith.constant 4 : i32
        %sub3A_755 = arith.subi %add3A_502, %sub3A_754 : i32
        %add3A_756 = arith.addi %mul3A_2, %sub3A_755 : i32
        %jit3A_757 = arith.constant 32 : i32
        %div3A_758 = arith.divsi %add3A_756, %jit3A_757 : i32
        %sign3A_759 = arith.constant 0 : i32
        %sign3A_760 = arith.cmpi sgt, %add3A_756, %sign3A_759 : i32
        %sign3A_761 = arith.extui %sign3A_760 : i1 to i32
        %sign3A_762 = arith.constant 0 : i32
        %sign3A_763 = arith.cmpi slt, %add3A_756, %sign3A_762 : i32
        %sign3A_764 = arith.extui %sign3A_763 : i1 to i32
        %sign3A_765 = arith.subi %sign3A_761, %sign3A_764 : i32
        %sign3A_766 = arith.constant 0 : i32
        %sign3A_767 = arith.cmpi sgt, %jit3A_757, %sign3A_766 : i32
        %sign3A_768 = arith.extui %sign3A_767 : i1 to i32
        %sign3A_769 = arith.constant 0 : i32
        %sign3A_770 = arith.cmpi slt, %jit3A_757, %sign3A_769 : i32
        %sign3A_771 = arith.extui %sign3A_770 : i1 to i32
        %sign3A_772 = arith.subi %sign3A_768, %sign3A_771 : i32
        %ne3A_773 = arith.cmpi ne, %sign3A_765, %sign3A_772 : i32
        %rem3A_774 = arith.remsi %add3A_756, %jit3A_757 : i32
        %ne3A_775 = arith.constant 0 : i32
        %ne3A_776 = arith.cmpi ne, %rem3A_774, %ne3A_775 : i32
        %and3A_777 = arith.andi %ne3A_773, %ne3A_776 : i1
        %sub3A_778 = arith.constant 1 : i32
        %sub3A_779 = arith.subi %div3A_758, %sub3A_778 : i32
        %select_n3A_780 = arith.select %and3A_777, %sub3A_779, %div3A_758 : i32
        %jit3A_781 = arith.constant 32 : i32
        %eq3A_782 = arith.constant 0 : i32
        %eq3A_783 = arith.cmpi eq, %jit3A_781, %eq3A_782 : i32
        %jit3A_784 = arith.constant 1 : i32
        %select_n3A_785 = arith.select %eq3A_783, %jit3A_784, %jit3A_781 : i32
        %rem3A_786 = arith.remsi %add3A_756, %select_n3A_785 : i32
        %ne3A_787 = arith.constant 0 : i32
        %ne3A_788 = arith.cmpi ne, %rem3A_786, %ne3A_787 : i32
        %lt3A_789 = arith.constant 0 : i32
        %lt3A_790 = arith.cmpi slt, %rem3A_786, %lt3A_789 : i32
        %lt3A_791 = arith.constant 0 : i32
        %lt3A_792 = arith.cmpi slt, %select_n3A_785, %lt3A_791 : i32
        %ne3A_793 = arith.xori %lt3A_790, %lt3A_792 : i1
        %and3A_794 = arith.andi %ne3A_793, %ne3A_788 : i1
        %add3A_795 = arith.addi %rem3A_786, %select_n3A_785 : i32
        %select_n3A_796 = arith.select %and3A_794, %add3A_795, %rem3A_786 : i32
        %dma_wait3A_797 = arith.constant 0 : i32
        %dma_wait3A_798 = arith.constant 0 : i32
        %dma_wait3A_799 = arith.constant 0 : i32
        %dma_wait3A_800 = tpu.memref_slice %arg11[%dma_wait3A_797, %dma_wait3A_798, %dma_wait3A_799] : memref<8x8x129xf32, #tpu.memory_space<vmem>> -> memref<8x8x128xf32, #tpu.memory_space<vmem>>
        %dma_wait3A_801 = arith.constant 0 : i32
        %dma_wait3A_802 = arith.constant 0 : i32
        %dma_wait3A_803 = arith.constant 0 : i32
        %dma_wait3A_804 = tpu.memref_slice %arg4[%select_n3A_780, %dma_wait3A_801, %select_n3A_796, %dma_wait3A_802, %dma_wait3A_803] : memref<200x8x32x8x128xf32, #tpu.memory_space<hbm>> -> memref<1x8x1x8x128xf32, #tpu.memory_space<hbm>>
        %dma_wait3A_805 = tpu.memref_squeeze %dma_wait3A_804 : memref<1x8x1x8x128xf32, #tpu.memory_space<hbm>> -> memref<8x8x128xf32, #tpu.memory_space<hbm>>
        %dma_wait3A_806 = arith.constant 0 : i32
        %dma_wait3A_807 = arith.constant 0 : i32
        %dma_wait3A_808 = arith.constant 0 : i32
        %dma_wait3A_809 = tpu.memref_slice %arg4[%select_n3A_780, %dma_wait3A_806, %select_n3A_796, %dma_wait3A_807, %dma_wait3A_808] : memref<200x8x32x8x128xf32, #tpu.memory_space<hbm>> -> memref<1x8x1x8x128xf32, #tpu.memory_space<hbm>>
        %dma_wait3A_810 = tpu.memref_squeeze %dma_wait3A_809 : memref<1x8x1x8x128xf32, #tpu.memory_space<hbm>> -> memref<8x8x128xf32, #tpu.memory_space<hbm>>
        %dma_wait3A_811 = arith.constant 0 : i32
        %dma_wait3A_812 = arith.constant 0 : i32
        %dma_wait3A_813 = arith.constant 0 : i32
        %dma_wait3A_814 = tpu.memref_slice %arg11[%dma_wait3A_811, %dma_wait3A_812, %dma_wait3A_813] : memref<8x8x129xf32, #tpu.memory_space<vmem>> -> memref<8x8x128xf32, #tpu.memory_space<vmem>>
        tpu.wait_dma2 semaphore(%arg19 : memref<!tpu.dma_semaphore, #tpu.memory_space<semaphore_mem>>) src(%dma_wait3A_814 : memref<8x8x128xf32, #tpu.memory_space<vmem>>) dst(%dma_wait3A_810 : memref<8x8x128xf32, #tpu.memory_space<hbm>>)
      } else {
      }
      %scan3A_514 = arith.constant 0 : i32
      %scan3A_515 = arith.constant 0 : i32
      %scan3A_516 = arith.constant 32 : i32
      %scan3A_517 = arith.addi %scan3A_515, %scan3A_516 : i32
      %scan3A_518 = arith.constant 1 : i32
      scf.for %scan3A_754 = %scan3A_515 to %scan3A_517 step %scan3A_518  : i32 {
        %mul3A_755 = arith.constant 4 : i32
        %mul3A_756 = arith.muli %scan3A_754, %mul3A_755 : i32
        %broadcast_in_dim3A = arith.constant 0 : i32
        %broadcast_in_dim3A_757 = vector.broadcast %broadcast_in_dim3A : i32 to vector<16xi32>
        %add3A_758 = arith.constant 0 : i32
        %add3A_759 = arith.addi %mul3A_756, %add3A_758 : i32
        %add3A_760 = vector.broadcast %add3A_759 : i32 to vector<16xi32>
        %add3A_761 = arith.addi %broadcast_in_dim3A_757, %add3A_760 : vector<16xi32>
        %broadcast_in_dim3A_762 = arith.constant 0 : i32
        %broadcast_in_dim3A_763 = vector.broadcast %broadcast_in_dim3A_762 : i32 to vector<16xi32>
        %add3A_764 = arith.constant 1 : i32
        %add3A_765 = arith.addi %mul3A_756, %add3A_764 : i32
        %add3A_766 = vector.broadcast %add3A_765 : i32 to vector<16xi32>
        %add3A_767 = arith.addi %broadcast_in_dim3A_763, %add3A_766 : vector<16xi32>
        %broadcast_in_dim3A_768 = arith.constant 0 : i32
        %broadcast_in_dim3A_769 = vector.broadcast %broadcast_in_dim3A_768 : i32 to vector<16xi32>
        %add3A_770 = arith.constant 2 : i32
        %add3A_771 = arith.addi %mul3A_756, %add3A_770 : i32
        %add3A_772 = vector.broadcast %add3A_771 : i32 to vector<16xi32>
        %add3A_773 = arith.addi %broadcast_in_dim3A_769, %add3A_772 : vector<16xi32>
        %broadcast_in_dim3A_774 = arith.constant 0 : i32
        %broadcast_in_dim3A_775 = vector.broadcast %broadcast_in_dim3A_774 : i32 to vector<16xi32>
        %add3A_776 = arith.constant 3 : i32
        %add3A_777 = arith.addi %mul3A_756, %add3A_776 : i32
        %add3A_778 = vector.broadcast %add3A_777 : i32 to vector<16xi32>
        %add3A_779 = arith.addi %broadcast_in_dim3A_775, %add3A_778 : vector<16xi32>
        %add3A_780 = arith.constant 0 : i32
        %add3A_781 = arith.addi %mul3A_756, %add3A_780 : i32
        %get3A = arith.index_cast %add3A_781 : i32 to index
        %get3A_782 = arith.constant 0 : index
        %get3A_783 = tpu.vector_load %arg7[%get3A, %get3A_782] {strides = array<i32>} : memref<128x64xf32, #tpu.memory_space<vmem>>, vector<16xf32>,
        %add3A_784 = arith.constant 0 : i32
        %add3A_785 = arith.addi %mul3A_756, %add3A_784 : i32
        %get3A_786 = arith.index_cast %add3A_785 : i32 to index
        %get3A_787 = arith.constant 16 : index
        %get3A_788 = tpu.vector_load %arg7[%get3A_786, %get3A_787] {strides = array<i32>} : memref<128x64xf32, #tpu.memory_space<vmem>>, vector<16xf32>,
        %add3A_789 = arith.constant 0 : i32
        %add3A_790 = arith.addi %mul3A_756, %add3A_789 : i32
        %get3A_791 = arith.index_cast %add3A_790 : i32 to index
        %get3A_792 = arith.constant 32 : index
        %get3A_793 = tpu.vector_load %arg7[%get3A_791, %get3A_792] {strides = array<i32>} : memref<128x64xf32, #tpu.memory_space<vmem>>, vector<16xf32>,
        %add3A_794 = arith.constant 0 : i32
        %add3A_795 = arith.addi %mul3A_756, %add3A_794 : i32
        %get3A_796 = arith.index_cast %add3A_795 : i32 to index
        %get3A_797 = arith.constant 48 : index
        %get3A_798 = tpu.vector_load %arg7[%get3A_796, %get3A_797] {strides = array<i32>} : memref<128x64xf32, #tpu.memory_space<vmem>>, vector<16xf32>,
        %add3A_799 = arith.constant 1 : i32
        %add3A_800 = arith.addi %mul3A_756, %add3A_799 : i32
        %get3A_801 = arith.index_cast %add3A_800 : i32 to index
        %get3A_802 = arith.constant 0 : index
        %get3A_803 = tpu.vector_load %arg7[%get3A_801, %get3A_802] {strides = array<i32>} : memref<128x64xf32, #tpu.memory_space<vmem>>, vector<16xf32>,
        %add3A_804 = arith.constant 1 : i32
        %add3A_805 = arith.addi %mul3A_756, %add3A_804 : i32
        %get3A_806 = arith.index_cast %add3A_805 : i32 to index
        %get3A_807 = arith.constant 16 : index
        %get3A_808 = tpu.vector_load %arg7[%get3A_806, %get3A_807] {strides = array<i32>} : memref<128x64xf32, #tpu.memory_space<vmem>>, vector<16xf32>,
        %add3A_809 = arith.constant 1 : i32
        %add3A_810 = arith.addi %mul3A_756, %add3A_809 : i32
        %get3A_811 = arith.index_cast %add3A_810 : i32 to index
        %get3A_812 = arith.constant 32 : index
        %get3A_813 = tpu.vector_load %arg7[%get3A_811, %get3A_812] {strides = array<i32>} : memref<128x64xf32, #tpu.memory_space<vmem>>, vector<16xf32>,
        %add3A_814 = arith.constant 1 : i32
        %add3A_815 = arith.addi %mul3A_756, %add3A_814 : i32
        %get3A_816 = arith.index_cast %add3A_815 : i32 to index
        %get3A_817 = arith.constant 48 : index
        %get3A_818 = tpu.vector_load %arg7[%get3A_816, %get3A_817] {strides = array<i32>} : memref<128x64xf32, #tpu.memory_space<vmem>>, vector<16xf32>,
        %add3A_819 = arith.constant 2 : i32
        %add3A_820 = arith.addi %mul3A_756, %add3A_819 : i32
        %get3A_821 = arith.index_cast %add3A_820 : i32 to index
        %get3A_822 = arith.constant 0 : index
        %get3A_823 = tpu.vector_load %arg7[%get3A_821, %get3A_822] {strides = array<i32>} : memref<128x64xf32, #tpu.memory_space<vmem>>, vector<16xf32>,
        %add3A_824 = arith.constant 2 : i32
        %add3A_825 = arith.addi %mul3A_756, %add3A_824 : i32
        %get3A_826 = arith.index_cast %add3A_825 : i32 to index
        %get3A_827 = arith.constant 16 : index
        %get3A_828 = tpu.vector_load %arg7[%get3A_826, %get3A_827] {strides = array<i32>} : memref<128x64xf32, #tpu.memory_space<vmem>>, vector<16xf32>,
        %add3A_829 = arith.constant 2 : i32
        %add3A_830 = arith.addi %mul3A_756, %add3A_829 : i32
        %get3A_831 = arith.index_cast %add3A_830 : i32 to index
        %get3A_832 = arith.constant 32 : index
        %get3A_833 = tpu.vector_load %arg7[%get3A_831, %get3A_832] {strides = array<i32>} : memref<128x64xf32, #tpu.memory_space<vmem>>, vector<16xf32>,
        %add3A_834 = arith.constant 2 : i32
        %add3A_835 = arith.addi %mul3A_756, %add3A_834 : i32
        %get3A_836 = arith.index_cast %add3A_835 : i32 to index
        %get3A_837 = arith.constant 48 : index
        %get3A_838 = tpu.vector_load %arg7[%get3A_836, %get3A_837] {strides = array<i32>} : memref<128x64xf32, #tpu.memory_space<vmem>>, vector<16xf32>,
        %add3A_839 = arith.constant 3 : i32
        %add3A_840 = arith.addi %mul3A_756, %add3A_839 : i32
        %get3A_841 = arith.index_cast %add3A_840 : i32 to index
        %get3A_842 = arith.constant 0 : index
        %get3A_843 = tpu.vector_load %arg7[%get3A_841, %get3A_842] {strides = array<i32>} : memref<128x64xf32, #tpu.memory_space<vmem>>, vector<16xf32>,
        %add3A_844 = arith.constant 3 : i32
        %add3A_845 = arith.addi %mul3A_756, %add3A_844 : i32
        %get3A_846 = arith.index_cast %add3A_845 : i32 to index
        %get3A_847 = arith.constant 16 : index
        %get3A_848 = tpu.vector_load %arg7[%get3A_846, %get3A_847] {strides = array<i32>} : memref<128x64xf32, #tpu.memory_space<vmem>>, vector<16xf32>,
        %add3A_849 = arith.constant 3 : i32
        %add3A_850 = arith.addi %mul3A_756, %add3A_849 : i32
        %get3A_851 = arith.index_cast %add3A_850 : i32 to index
        %get3A_852 = arith.constant 32 : index
        %get3A_853 = tpu.vector_load %arg7[%get3A_851, %get3A_852] {strides = array<i32>} : memref<128x64xf32, #tpu.memory_space<vmem>>, vector<16xf32>,
        %add3A_854 = arith.constant 3 : i32
        %add3A_855 = arith.addi %mul3A_756, %add3A_854 : i32
        %get3A_856 = arith.index_cast %add3A_855 : i32 to index
        %get3A_857 = arith.constant 48 : index
        %get3A_858 = tpu.vector_load %arg7[%get3A_856, %get3A_857] {strides = array<i32>} : memref<128x64xf32, #tpu.memory_space<vmem>>, vector<16xf32>,
        tpu.vector_store_idx %arg11[%select_n3A, %select_n3A_150, %add3A_761], %get3A_783 : memref<8x8x129xf32, #tpu.memory_space<vmem>>[vector<16xi32>, vector<16xi32>, vector<16xi32>], vector<16xf32>,
        tpu.vector_store_idx %arg11[%select_n3A_62, %select_n3A_150, %add3A_761], %get3A_788 : memref<8x8x129xf32, #tpu.memory_space<vmem>>[vector<16xi32>, vector<16xi32>, vector<16xi32>], vector<16xf32>,
        tpu.vector_store_idx %arg11[%select_n3A_96, %select_n3A_150, %add3A_761], %get3A_793 : memref<8x8x129xf32, #tpu.memory_space<vmem>>[vector<16xi32>, vector<16xi32>, vector<16xi32>], vector<16xf32>,
        tpu.vector_store_idx %arg11[%select_n3A_130, %select_n3A_150, %add3A_761], %get3A_798 : memref<8x8x129xf32, #tpu.memory_space<vmem>>[vector<16xi32>, vector<16xi32>, vector<16xi32>], vector<16xf32>,
        tpu.vector_store_idx %arg11[%select_n3A, %select_n3A_150, %add3A_767], %get3A_803 : memref<8x8x129xf32, #tpu.memory_space<vmem>>[vector<16xi32>, vector<16xi32>, vector<16xi32>], vector<16xf32>,
        tpu.vector_store_idx %arg11[%select_n3A_62, %select_n3A_150, %add3A_767], %get3A_808 : memref<8x8x129xf32, #tpu.memory_space<vmem>>[vector<16xi32>, vector<16xi32>, vector<16xi32>], vector<16xf32>,
        tpu.vector_store_idx %arg11[%select_n3A_96, %select_n3A_150, %add3A_767], %get3A_813 : memref<8x8x129xf32, #tpu.memory_space<vmem>>[vector<16xi32>, vector<16xi32>, vector<16xi32>], vector<16xf32>,
        tpu.vector_store_idx %arg11[%select_n3A_130, %select_n3A_150, %add3A_767], %get3A_818 : memref<8x8x129xf32, #tpu.memory_space<vmem>>[vector<16xi32>, vector<16xi32>, vector<16xi32>], vector<16xf32>,
        tpu.vector_store_idx %arg11[%select_n3A, %select_n3A_150, %add3A_773], %get3A_823 : memref<8x8x129xf32, #tpu.memory_space<vmem>>[vector<16xi32>, vector<16xi32>, vector<16xi32>], vector<16xf32>,
        tpu.vector_store_idx %arg11[%select_n3A_62, %select_n3A_150, %add3A_773], %get3A_828 : memref<8x8x129xf32, #tpu.memory_space<vmem>>[vector<16xi32>, vector<16xi32>, vector<16xi32>], vector<16xf32>,
        tpu.vector_store_idx %arg11[%select_n3A_96, %select_n3A_150, %add3A_773], %get3A_833 : memref<8x8x129xf32, #tpu.memory_space<vmem>>[vector<16xi32>, vector<16xi32>, vector<16xi32>], vector<16xf32>,
        tpu.vector_store_idx %arg11[%select_n3A_130, %select_n3A_150, %add3A_773], %get3A_838 : memref<8x8x129xf32, #tpu.memory_space<vmem>>[vector<16xi32>, vector<16xi32>, vector<16xi32>], vector<16xf32>,
        tpu.vector_store_idx %arg11[%select_n3A, %select_n3A_150, %add3A_779], %get3A_843 : memref<8x8x129xf32, #tpu.memory_space<vmem>>[vector<16xi32>, vector<16xi32>, vector<16xi32>], vector<16xf32>,
        tpu.vector_store_idx %arg11[%select_n3A_62, %select_n3A_150, %add3A_779], %get3A_848 : memref<8x8x129xf32, #tpu.memory_space<vmem>>[vector<16xi32>, vector<16xi32>, vector<16xi32>], vector<16xf32>,
        tpu.vector_store_idx %arg11[%select_n3A_96, %select_n3A_150, %add3A_779], %get3A_853 : memref<8x8x129xf32, #tpu.memory_space<vmem>>[vector<16xi32>, vector<16xi32>, vector<16xi32>], vector<16xf32>,
        tpu.vector_store_idx %arg11[%select_n3A_130, %select_n3A_150, %add3A_779], %get3A_858 : memref<8x8x129xf32, #tpu.memory_space<vmem>>[vector<16xi32>, vector<16xi32>, vector<16xi32>], vector<16xf32>,
      }
      %scan3A_519 = arith.constant 32 : i32
      %add3A_520 = arith.addi %mul3A_2, %add3A_502 : i32
      %jit3A_521 = arith.constant 32 : i32
      %div3A_522 = arith.divsi %add3A_520, %jit3A_521 : i32
      %sign3A_523 = arith.constant 0 : i32
      %sign3A_524 = arith.cmpi sgt, %add3A_520, %sign3A_523 : i32
      %sign3A_525 = arith.extui %sign3A_524 : i1 to i32
      %sign3A_526 = arith.constant 0 : i32
      %sign3A_527 = arith.cmpi slt, %add3A_520, %sign3A_526 : i32
      %sign3A_528 = arith.extui %sign3A_527 : i1 to i32
      %sign3A_529 = arith.subi %sign3A_525, %sign3A_528 : i32
      %sign3A_530 = arith.constant 0 : i32
      %sign3A_531 = arith.cmpi sgt, %jit3A_521, %sign3A_530 : i32
      %sign3A_532 = arith.extui %sign3A_531 : i1 to i32
      %sign3A_533 = arith.constant 0 : i32
      %sign3A_534 = arith.cmpi slt, %jit3A_521, %sign3A_533 : i32
      %sign3A_535 = arith.extui %sign3A_534 : i1 to i32
      %sign3A_536 = arith.subi %sign3A_532, %sign3A_535 : i32
      %ne3A_537 = arith.cmpi ne, %sign3A_529, %sign3A_536 : i32
      %rem3A_538 = arith.remsi %add3A_520, %jit3A_521 : i32
      %ne3A_539 = arith.constant 0 : i32
      %ne3A_540 = arith.cmpi ne, %rem3A_538, %ne3A_539 : i32
      %and3A_541 = arith.andi %ne3A_537, %ne3A_540 : i1
      %sub3A_542 = arith.constant 1 : i32
      %sub3A_543 = arith.subi %div3A_522, %sub3A_542 : i32
      %select_n3A_544 = arith.select %and3A_541, %sub3A_543, %div3A_522 : i32
      %jit3A_545 = arith.constant 32 : i32
      %eq3A_546 = arith.constant 0 : i32
      %eq3A_547 = arith.cmpi eq, %jit3A_545, %eq3A_546 : i32
      %jit3A_548 = arith.constant 1 : i32
      %select_n3A_549 = arith.select %eq3A_547, %jit3A_548, %jit3A_545 : i32
      %rem3A_550 = arith.remsi %add3A_520, %select_n3A_549 : i32
      %ne3A_551 = arith.constant 0 : i32
      %ne3A_552 = arith.cmpi ne, %rem3A_550, %ne3A_551 : i32
      %lt3A_553 = arith.constant 0 : i32
      %lt3A_554 = arith.cmpi slt, %rem3A_550, %lt3A_553 : i32
      %lt3A_555 = arith.constant 0 : i32
      %lt3A_556 = arith.cmpi slt, %select_n3A_549, %lt3A_555 : i32
      %ne3A_557 = arith.xori %lt3A_554, %lt3A_556 : i1
      %and3A_558 = arith.andi %ne3A_557, %ne3A_552 : i1
      %add3A_559 = arith.addi %rem3A_550, %select_n3A_549 : i32
      %select_n3A_560 = arith.select %and3A_558, %add3A_559, %rem3A_550 : i32
      %dma_start3A_561 = arith.constant 0 : i32
      %dma_start3A_562 = arith.constant 0 : i32
      %dma_start3A_563 = arith.constant 0 : i32
      %dma_start3A_564 = tpu.memref_slice %arg11[%dma_start3A_561, %dma_start3A_562, %dma_start3A_563] : memref<8x8x129xf32, #tpu.memory_space<vmem>> -> memref<8x8x128xf32, #tpu.memory_space<vmem>>
      %dma_start3A_565 = arith.constant 0 : i32
      %dma_start3A_566 = arith.constant 0 : i32
      %dma_start3A_567 = arith.constant 0 : i32
      %dma_start3A_568 = tpu.memref_slice %arg4[%select_n3A_544, %dma_start3A_565, %select_n3A_560, %dma_start3A_566, %dma_start3A_567] : memref<200x8x32x8x128xf32, #tpu.memory_space<hbm>> -> memref<1x8x1x8x128xf32, #tpu.memory_space<hbm>>
      %dma_start3A_569 = tpu.memref_squeeze %dma_start3A_568 : memref<1x8x1x8x128xf32, #tpu.memory_space<hbm>> -> memref<8x8x128xf32, #tpu.memory_space<hbm>>
      %dma_start3A_570 = arith.constant 0 : i32
      %dma_start3A_571 = arith.constant 0 : i32
      %dma_start3A_572 = arith.constant 0 : i32
      %dma_start3A_573 = tpu.memref_slice %arg4[%select_n3A_544, %dma_start3A_570, %select_n3A_560, %dma_start3A_571, %dma_start3A_572] : memref<200x8x32x8x128xf32, #tpu.memory_space<hbm>> -> memref<1x8x1x8x128xf32, #tpu.memory_space<hbm>>
      %dma_start3A_574 = tpu.memref_squeeze %dma_start3A_573 : memref<1x8x1x8x128xf32, #tpu.memory_space<hbm>> -> memref<8x8x128xf32, #tpu.memory_space<hbm>>
      %dma_start3A_575 = arith.constant 0 : i32
      %dma_start3A_576 = arith.constant 0 : i32
      %dma_start3A_577 = arith.constant 0 : i32
      %dma_start3A_578 = tpu.memref_slice %arg11[%dma_start3A_575, %dma_start3A_576, %dma_start3A_577] : memref<8x8x129xf32, #tpu.memory_space<vmem>> -> memref<8x8x128xf32, #tpu.memory_space<vmem>>
      tpu.enqueue_dma source(%dma_start3A_578 : memref<8x8x128xf32, #tpu.memory_space<vmem>>) target(%dma_start3A_574 : memref<8x8x128xf32, #tpu.memory_space<hbm>>) target_semaphore(%arg19 : memref<!tpu.dma_semaphore, #tpu.memory_space<semaphore_mem>>)
      %lt3A_579 = arith.constant 49 : i32
      %lt3A_580 = arith.cmpi slt, %scan3A_416, %lt3A_579 : i32
      %convert_element_type3A_581 = arith.extui %lt3A_580 : i1 to i32
      %cond3A_582 = arith.constant 0 : i32
      %cond3A_583 = arith.cmpi ne, %convert_element_type3A_581, %cond3A_582 : i32
      scf.if %cond3A_583 {
        %add3A_754 = arith.constant 4 : i32
        %add3A_755 = arith.addi %add3A_502, %add3A_754 : i32
        %mul3A_756 = arith.constant 128 : i32
        %mul3A_757 = arith.muli %add3A_755, %mul3A_756 : i32
        %dma_start3A_758 = tpu.memref_slice %arg5[%mul3A_757] : memref<25600xi32, #tpu.memory_space<vmem>> -> memref<128xi32, #tpu.memory_space<vmem>>
        %dma_start3A_759 = arith.constant 0 : i32
        %dma_start3A_760 = arith.constant 0 : i32
        %dma_start3A_761 = tpu.memref_slice %arg3[%dma_start3A_759, %dma_start3A_760] : memref<1000000x64xf32, #tpu.memory_space<hbm>> -> memref<1000000x64xf32, #tpu.memory_space<hbm>>
        tpu.enqueue_indirect_dma source(%dma_start3A_761 : memref<1000000x64xf32, #tpu.memory_space<hbm>>) target(%arg7 : memref<128x64xf32, #tpu.memory_space<vmem>>) offsets(%dma_start3A_758 : memref<128xi32, #tpu.memory_space<vmem>>) semaphore(%arg15 : memref<!tpu.dma_semaphore, #tpu.memory_space<semaphore_mem>>)
      } else {
      }
      %mul3A_584 = arith.constant 4 : i32
      %mul3A_585 = arith.muli %scan3A_416, %mul3A_584 : i32
      %add3A_586 = arith.constant 2 : i32
      %add3A_587 = arith.addi %mul3A_585, %add3A_586 : i32
      %mul3A_588 = arith.constant 128 : i32
      %mul3A_589 = arith.muli %add3A_587, %mul3A_588 : i32
      %dma_wait3A_590 = tpu.memref_slice %arg5[%mul3A_589] : memref<25600xi32, #tpu.memory_space<vmem>> -> memref<128xi32, #tpu.memory_space<vmem>>
      %dma_wait3A_591 = arith.constant 0 : i32
      %dma_wait3A_592 = arith.constant 0 : i32
      %dma_wait3A_593 = tpu.memref_slice %arg3[%dma_wait3A_591, %dma_wait3A_592] : memref<1000000x64xf32, #tpu.memory_space<hbm>> -> memref<1000000x64xf32, #tpu.memory_space<hbm>>
      tpu.wait_indirect_dma semaphore(%arg16 : memref<!tpu.dma_semaphore, #tpu.memory_space<semaphore_mem>>) src(%dma_wait3A_593 : memref<1000000x64xf32, #tpu.memory_space<hbm>>) dst(%arg8 : memref<128x64xf32, #tpu.memory_space<vmem>>)
      %gt3A_594 = arith.constant 0 : i32
      %gt3A_595 = arith.cmpi sgt, %scan3A_416, %gt3A_594 : i32
      %convert_element_type3A_596 = arith.extui %gt3A_595 : i1 to i32
      %cond3A_597 = arith.constant 0 : i32
      %cond3A_598 = arith.cmpi ne, %convert_element_type3A_596, %cond3A_597 : i32
      scf.if %cond3A_598 {
        %sub3A_754 = arith.constant 4 : i32
        %sub3A_755 = arith.subi %add3A_587, %sub3A_754 : i32
        %add3A_756 = arith.addi %mul3A_2, %sub3A_755 : i32
        %jit3A_757 = arith.constant 32 : i32
        %div3A_758 = arith.divsi %add3A_756, %jit3A_757 : i32
        %sign3A_759 = arith.constant 0 : i32
        %sign3A_760 = arith.cmpi sgt, %add3A_756, %sign3A_759 : i32
        %sign3A_761 = arith.extui %sign3A_760 : i1 to i32
        %sign3A_762 = arith.constant 0 : i32
        %sign3A_763 = arith.cmpi slt, %add3A_756, %sign3A_762 : i32
        %sign3A_764 = arith.extui %sign3A_763 : i1 to i32
        %sign3A_765 = arith.subi %sign3A_761, %sign3A_764 : i32
        %sign3A_766 = arith.constant 0 : i32
        %sign3A_767 = arith.cmpi sgt, %jit3A_757, %sign3A_766 : i32
        %sign3A_768 = arith.extui %sign3A_767 : i1 to i32
        %sign3A_769 = arith.constant 0 : i32
        %sign3A_770 = arith.cmpi slt, %jit3A_757, %sign3A_769 : i32
        %sign3A_771 = arith.extui %sign3A_770 : i1 to i32
        %sign3A_772 = arith.subi %sign3A_768, %sign3A_771 : i32
        %ne3A_773 = arith.cmpi ne, %sign3A_765, %sign3A_772 : i32
        %rem3A_774 = arith.remsi %add3A_756, %jit3A_757 : i32
        %ne3A_775 = arith.constant 0 : i32
        %ne3A_776 = arith.cmpi ne, %rem3A_774, %ne3A_775 : i32
        %and3A_777 = arith.andi %ne3A_773, %ne3A_776 : i1
        %sub3A_778 = arith.constant 1 : i32
        %sub3A_779 = arith.subi %div3A_758, %sub3A_778 : i32
        %select_n3A_780 = arith.select %and3A_777, %sub3A_779, %div3A_758 : i32
        %jit3A_781 = arith.constant 32 : i32
        %eq3A_782 = arith.constant 0 : i32
        %eq3A_783 = arith.cmpi eq, %jit3A_781, %eq3A_782 : i32
        %jit3A_784 = arith.constant 1 : i32
        %select_n3A_785 = arith.select %eq3A_783, %jit3A_784, %jit3A_781 : i32
        %rem3A_786 = arith.remsi %add3A_756, %select_n3A_785 : i32
        %ne3A_787 = arith.constant 0 : i32
        %ne3A_788 = arith.cmpi ne, %rem3A_786, %ne3A_787 : i32
        %lt3A_789 = arith.constant 0 : i32
        %lt3A_790 = arith.cmpi slt, %rem3A_786, %lt3A_789 : i32
        %lt3A_791 = arith.constant 0 : i32
        %lt3A_792 = arith.cmpi slt, %select_n3A_785, %lt3A_791 : i32
        %ne3A_793 = arith.xori %lt3A_790, %lt3A_792 : i1
        %and3A_794 = arith.andi %ne3A_793, %ne3A_788 : i1
        %add3A_795 = arith.addi %rem3A_786, %select_n3A_785 : i32
        %select_n3A_796 = arith.select %and3A_794, %add3A_795, %rem3A_786 : i32
        %dma_wait3A_797 = arith.constant 0 : i32
        %dma_wait3A_798 = arith.constant 0 : i32
        %dma_wait3A_799 = arith.constant 0 : i32
        %dma_wait3A_800 = tpu.memref_slice %arg12[%dma_wait3A_797, %dma_wait3A_798, %dma_wait3A_799] : memref<8x8x129xf32, #tpu.memory_space<vmem>> -> memref<8x8x128xf32, #tpu.memory_space<vmem>>
        %dma_wait3A_801 = arith.constant 0 : i32
        %dma_wait3A_802 = arith.constant 0 : i32
        %dma_wait3A_803 = arith.constant 0 : i32
        %dma_wait3A_804 = tpu.memref_slice %arg4[%select_n3A_780, %dma_wait3A_801, %select_n3A_796, %dma_wait3A_802, %dma_wait3A_803] : memref<200x8x32x8x128xf32, #tpu.memory_space<hbm>> -> memref<1x8x1x8x128xf32, #tpu.memory_space<hbm>>
        %dma_wait3A_805 = tpu.memref_squeeze %dma_wait3A_804 : memref<1x8x1x8x128xf32, #tpu.memory_space<hbm>> -> memref<8x8x128xf32, #tpu.memory_space<hbm>>
        %dma_wait3A_806 = arith.constant 0 : i32
        %dma_wait3A_807 = arith.constant 0 : i32
        %dma_wait3A_808 = arith.constant 0 : i32
        %dma_wait3A_809 = tpu.memref_slice %arg4[%select_n3A_780, %dma_wait3A_806, %select_n3A_796, %dma_wait3A_807, %dma_wait3A_808] : memref<200x8x32x8x128xf32, #tpu.memory_space<hbm>> -> memref<1x8x1x8x128xf32, #tpu.memory_space<hbm>>
        %dma_wait3A_810 = tpu.memref_squeeze %dma_wait3A_809 : memref<1x8x1x8x128xf32, #tpu.memory_space<hbm>> -> memref<8x8x128xf32, #tpu.memory_space<hbm>>
        %dma_wait3A_811 = arith.constant 0 : i32
        %dma_wait3A_812 = arith.constant 0 : i32
        %dma_wait3A_813 = arith.constant 0 : i32
        %dma_wait3A_814 = tpu.memref_slice %arg12[%dma_wait3A_811, %dma_wait3A_812, %dma_wait3A_813] : memref<8x8x129xf32, #tpu.memory_space<vmem>> -> memref<8x8x128xf32, #tpu.memory_space<vmem>>
        tpu.wait_dma2 semaphore(%arg20 : memref<!tpu.dma_semaphore, #tpu.memory_space<semaphore_mem>>) src(%dma_wait3A_814 : memref<8x8x128xf32, #tpu.memory_space<vmem>>) dst(%dma_wait3A_810 : memref<8x8x128xf32, #tpu.memory_space<hbm>>)
      } else {
      }
      %scan3A_599 = arith.constant 0 : i32
      %scan3A_600 = arith.constant 0 : i32
      %scan3A_601 = arith.constant 32 : i32
      %scan3A_602 = arith.addi %scan3A_600, %scan3A_601 : i32
      %scan3A_603 = arith.constant 1 : i32
      scf.for %scan3A_754 = %scan3A_600 to %scan3A_602 step %scan3A_603  : i32 {
        %mul3A_755 = arith.constant 4 : i32
        %mul3A_756 = arith.muli %scan3A_754, %mul3A_755 : i32
        %broadcast_in_dim3A = arith.constant 0 : i32
        %broadcast_in_dim3A_757 = vector.broadcast %broadcast_in_dim3A : i32 to vector<16xi32>
        %add3A_758 = arith.constant 0 : i32
        %add3A_759 = arith.addi %mul3A_756, %add3A_758 : i32
        %add3A_760 = vector.broadcast %add3A_759 : i32 to vector<16xi32>
        %add3A_761 = arith.addi %broadcast_in_dim3A_757, %add3A_760 : vector<16xi32>
        %broadcast_in_dim3A_762 = arith.constant 0 : i32
        %broadcast_in_dim3A_763 = vector.broadcast %broadcast_in_dim3A_762 : i32 to vector<16xi32>
        %add3A_764 = arith.constant 1 : i32
        %add3A_765 = arith.addi %mul3A_756, %add3A_764 : i32
        %add3A_766 = vector.broadcast %add3A_765 : i32 to vector<16xi32>
        %add3A_767 = arith.addi %broadcast_in_dim3A_763, %add3A_766 : vector<16xi32>
        %broadcast_in_dim3A_768 = arith.constant 0 : i32
        %broadcast_in_dim3A_769 = vector.broadcast %broadcast_in_dim3A_768 : i32 to vector<16xi32>
        %add3A_770 = arith.constant 2 : i32
        %add3A_771 = arith.addi %mul3A_756, %add3A_770 : i32
        %add3A_772 = vector.broadcast %add3A_771 : i32 to vector<16xi32>
        %add3A_773 = arith.addi %broadcast_in_dim3A_769, %add3A_772 : vector<16xi32>
        %broadcast_in_dim3A_774 = arith.constant 0 : i32
        %broadcast_in_dim3A_775 = vector.broadcast %broadcast_in_dim3A_774 : i32 to vector<16xi32>
        %add3A_776 = arith.constant 3 : i32
        %add3A_777 = arith.addi %mul3A_756, %add3A_776 : i32
        %add3A_778 = vector.broadcast %add3A_777 : i32 to vector<16xi32>
        %add3A_779 = arith.addi %broadcast_in_dim3A_775, %add3A_778 : vector<16xi32>
        %add3A_780 = arith.constant 0 : i32
        %add3A_781 = arith.addi %mul3A_756, %add3A_780 : i32
        %get3A = arith.index_cast %add3A_781 : i32 to index
        %get3A_782 = arith.constant 0 : index
        %get3A_783 = tpu.vector_load %arg8[%get3A, %get3A_782] {strides = array<i32>} : memref<128x64xf32, #tpu.memory_space<vmem>>, vector<16xf32>,
        %add3A_784 = arith.constant 0 : i32
        %add3A_785 = arith.addi %mul3A_756, %add3A_784 : i32
        %get3A_786 = arith.index_cast %add3A_785 : i32 to index
        %get3A_787 = arith.constant 16 : index
        %get3A_788 = tpu.vector_load %arg8[%get3A_786, %get3A_787] {strides = array<i32>} : memref<128x64xf32, #tpu.memory_space<vmem>>, vector<16xf32>,
        %add3A_789 = arith.constant 0 : i32
        %add3A_790 = arith.addi %mul3A_756, %add3A_789 : i32
        %get3A_791 = arith.index_cast %add3A_790 : i32 to index
        %get3A_792 = arith.constant 32 : index
        %get3A_793 = tpu.vector_load %arg8[%get3A_791, %get3A_792] {strides = array<i32>} : memref<128x64xf32, #tpu.memory_space<vmem>>, vector<16xf32>,
        %add3A_794 = arith.constant 0 : i32
        %add3A_795 = arith.addi %mul3A_756, %add3A_794 : i32
        %get3A_796 = arith.index_cast %add3A_795 : i32 to index
        %get3A_797 = arith.constant 48 : index
        %get3A_798 = tpu.vector_load %arg8[%get3A_796, %get3A_797] {strides = array<i32>} : memref<128x64xf32, #tpu.memory_space<vmem>>, vector<16xf32>,
        %add3A_799 = arith.constant 1 : i32
        %add3A_800 = arith.addi %mul3A_756, %add3A_799 : i32
        %get3A_801 = arith.index_cast %add3A_800 : i32 to index
        %get3A_802 = arith.constant 0 : index
        %get3A_803 = tpu.vector_load %arg8[%get3A_801, %get3A_802] {strides = array<i32>} : memref<128x64xf32, #tpu.memory_space<vmem>>, vector<16xf32>,
        %add3A_804 = arith.constant 1 : i32
        %add3A_805 = arith.addi %mul3A_756, %add3A_804 : i32
        %get3A_806 = arith.index_cast %add3A_805 : i32 to index
        %get3A_807 = arith.constant 16 : index
        %get3A_808 = tpu.vector_load %arg8[%get3A_806, %get3A_807] {strides = array<i32>} : memref<128x64xf32, #tpu.memory_space<vmem>>, vector<16xf32>,
        %add3A_809 = arith.constant 1 : i32
        %add3A_810 = arith.addi %mul3A_756, %add3A_809 : i32
        %get3A_811 = arith.index_cast %add3A_810 : i32 to index
        %get3A_812 = arith.constant 32 : index
        %get3A_813 = tpu.vector_load %arg8[%get3A_811, %get3A_812] {strides = array<i32>} : memref<128x64xf32, #tpu.memory_space<vmem>>, vector<16xf32>,
        %add3A_814 = arith.constant 1 : i32
        %add3A_815 = arith.addi %mul3A_756, %add3A_814 : i32
        %get3A_816 = arith.index_cast %add3A_815 : i32 to index
        %get3A_817 = arith.constant 48 : index
        %get3A_818 = tpu.vector_load %arg8[%get3A_816, %get3A_817] {strides = array<i32>} : memref<128x64xf32, #tpu.memory_space<vmem>>, vector<16xf32>,
        %add3A_819 = arith.constant 2 : i32
        %add3A_820 = arith.addi %mul3A_756, %add3A_819 : i32
        %get3A_821 = arith.index_cast %add3A_820 : i32 to index
        %get3A_822 = arith.constant 0 : index
        %get3A_823 = tpu.vector_load %arg8[%get3A_821, %get3A_822] {strides = array<i32>} : memref<128x64xf32, #tpu.memory_space<vmem>>, vector<16xf32>,
        %add3A_824 = arith.constant 2 : i32
        %add3A_825 = arith.addi %mul3A_756, %add3A_824 : i32
        %get3A_826 = arith.index_cast %add3A_825 : i32 to index
        %get3A_827 = arith.constant 16 : index
        %get3A_828 = tpu.vector_load %arg8[%get3A_826, %get3A_827] {strides = array<i32>} : memref<128x64xf32, #tpu.memory_space<vmem>>, vector<16xf32>,
        %add3A_829 = arith.constant 2 : i32
        %add3A_830 = arith.addi %mul3A_756, %add3A_829 : i32
        %get3A_831 = arith.index_cast %add3A_830 : i32 to index
        %get3A_832 = arith.constant 32 : index
        %get3A_833 = tpu.vector_load %arg8[%get3A_831, %get3A_832] {strides = array<i32>} : memref<128x64xf32, #tpu.memory_space<vmem>>, vector<16xf32>,
        %add3A_834 = arith.constant 2 : i32
        %add3A_835 = arith.addi %mul3A_756, %add3A_834 : i32
        %get3A_836 = arith.index_cast %add3A_835 : i32 to index
        %get3A_837 = arith.constant 48 : index
        %get3A_838 = tpu.vector_load %arg8[%get3A_836, %get3A_837] {strides = array<i32>} : memref<128x64xf32, #tpu.memory_space<vmem>>, vector<16xf32>,
        %add3A_839 = arith.constant 3 : i32
        %add3A_840 = arith.addi %mul3A_756, %add3A_839 : i32
        %get3A_841 = arith.index_cast %add3A_840 : i32 to index
        %get3A_842 = arith.constant 0 : index
        %get3A_843 = tpu.vector_load %arg8[%get3A_841, %get3A_842] {strides = array<i32>} : memref<128x64xf32, #tpu.memory_space<vmem>>, vector<16xf32>,
        %add3A_844 = arith.constant 3 : i32
        %add3A_845 = arith.addi %mul3A_756, %add3A_844 : i32
        %get3A_846 = arith.index_cast %add3A_845 : i32 to index
        %get3A_847 = arith.constant 16 : index
        %get3A_848 = tpu.vector_load %arg8[%get3A_846, %get3A_847] {strides = array<i32>} : memref<128x64xf32, #tpu.memory_space<vmem>>, vector<16xf32>,
        %add3A_849 = arith.constant 3 : i32
        %add3A_850 = arith.addi %mul3A_756, %add3A_849 : i32
        %get3A_851 = arith.index_cast %add3A_850 : i32 to index
        %get3A_852 = arith.constant 32 : index
        %get3A_853 = tpu.vector_load %arg8[%get3A_851, %get3A_852] {strides = array<i32>} : memref<128x64xf32, #tpu.memory_space<vmem>>, vector<16xf32>,
        %add3A_854 = arith.constant 3 : i32
        %add3A_855 = arith.addi %mul3A_756, %add3A_854 : i32
        %get3A_856 = arith.index_cast %add3A_855 : i32 to index
        %get3A_857 = arith.constant 48 : index
        %get3A_858 = tpu.vector_load %arg8[%get3A_856, %get3A_857] {strides = array<i32>} : memref<128x64xf32, #tpu.memory_space<vmem>>, vector<16xf32>,
        tpu.vector_store_idx %arg12[%select_n3A, %select_n3A_150, %add3A_761], %get3A_783 : memref<8x8x129xf32, #tpu.memory_space<vmem>>[vector<16xi32>, vector<16xi32>, vector<16xi32>], vector<16xf32>,
        tpu.vector_store_idx %arg12[%select_n3A_62, %select_n3A_150, %add3A_761], %get3A_788 : memref<8x8x129xf32, #tpu.memory_space<vmem>>[vector<16xi32>, vector<16xi32>, vector<16xi32>], vector<16xf32>,
        tpu.vector_store_idx %arg12[%select_n3A_96, %select_n3A_150, %add3A_761], %get3A_793 : memref<8x8x129xf32, #tpu.memory_space<vmem>>[vector<16xi32>, vector<16xi32>, vector<16xi32>], vector<16xf32>,
        tpu.vector_store_idx %arg12[%select_n3A_130, %select_n3A_150, %add3A_761], %get3A_798 : memref<8x8x129xf32, #tpu.memory_space<vmem>>[vector<16xi32>, vector<16xi32>, vector<16xi32>], vector<16xf32>,
        tpu.vector_store_idx %arg12[%select_n3A, %select_n3A_150, %add3A_767], %get3A_803 : memref<8x8x129xf32, #tpu.memory_space<vmem>>[vector<16xi32>, vector<16xi32>, vector<16xi32>], vector<16xf32>,
        tpu.vector_store_idx %arg12[%select_n3A_62, %select_n3A_150, %add3A_767], %get3A_808 : memref<8x8x129xf32, #tpu.memory_space<vmem>>[vector<16xi32>, vector<16xi32>, vector<16xi32>], vector<16xf32>,
        tpu.vector_store_idx %arg12[%select_n3A_96, %select_n3A_150, %add3A_767], %get3A_813 : memref<8x8x129xf32, #tpu.memory_space<vmem>>[vector<16xi32>, vector<16xi32>, vector<16xi32>], vector<16xf32>,
        tpu.vector_store_idx %arg12[%select_n3A_130, %select_n3A_150, %add3A_767], %get3A_818 : memref<8x8x129xf32, #tpu.memory_space<vmem>>[vector<16xi32>, vector<16xi32>, vector<16xi32>], vector<16xf32>,
        tpu.vector_store_idx %arg12[%select_n3A, %select_n3A_150, %add3A_773], %get3A_823 : memref<8x8x129xf32, #tpu.memory_space<vmem>>[vector<16xi32>, vector<16xi32>, vector<16xi32>], vector<16xf32>,
        tpu.vector_store_idx %arg12[%select_n3A_62, %select_n3A_150, %add3A_773], %get3A_828 : memref<8x8x129xf32, #tpu.memory_space<vmem>>[vector<16xi32>, vector<16xi32>, vector<16xi32>], vector<16xf32>,
        tpu.vector_store_idx %arg12[%select_n3A_96, %select_n3A_150, %add3A_773], %get3A_833 : memref<8x8x129xf32, #tpu.memory_space<vmem>>[vector<16xi32>, vector<16xi32>, vector<16xi32>], vector<16xf32>,
        tpu.vector_store_idx %arg12[%select_n3A_130, %select_n3A_150, %add3A_773], %get3A_838 : memref<8x8x129xf32, #tpu.memory_space<vmem>>[vector<16xi32>, vector<16xi32>, vector<16xi32>], vector<16xf32>,
        tpu.vector_store_idx %arg12[%select_n3A, %select_n3A_150, %add3A_779], %get3A_843 : memref<8x8x129xf32, #tpu.memory_space<vmem>>[vector<16xi32>, vector<16xi32>, vector<16xi32>], vector<16xf32>,
        tpu.vector_store_idx %arg12[%select_n3A_62, %select_n3A_150, %add3A_779], %get3A_848 : memref<8x8x129xf32, #tpu.memory_space<vmem>>[vector<16xi32>, vector<16xi32>, vector<16xi32>], vector<16xf32>,
        tpu.vector_store_idx %arg12[%select_n3A_96, %select_n3A_150, %add3A_779], %get3A_853 : memref<8x8x129xf32, #tpu.memory_space<vmem>>[vector<16xi32>, vector<16xi32>, vector<16xi32>], vector<16xf32>,
        tpu.vector_store_idx %arg12[%select_n3A_130, %select_n3A_150, %add3A_779], %get3A_858 : memref<8x8x129xf32, #tpu.memory_space<vmem>>[vector<16xi32>, vector<16xi32>, vector<16xi32>], vector<16xf32>,
      }
      %scan3A_604 = arith.constant 32 : i32
      %add3A_605 = arith.addi %mul3A_2, %add3A_587 : i32
      %jit3A_606 = arith.constant 32 : i32
      %div3A_607 = arith.divsi %add3A_605, %jit3A_606 : i32
      %sign3A_608 = arith.constant 0 : i32
      %sign3A_609 = arith.cmpi sgt, %add3A_605, %sign3A_608 : i32
      %sign3A_610 = arith.extui %sign3A_609 : i1 to i32
      %sign3A_611 = arith.constant 0 : i32
      %sign3A_612 = arith.cmpi slt, %add3A_605, %sign3A_611 : i32
      %sign3A_613 = arith.extui %sign3A_612 : i1 to i32
      %sign3A_614 = arith.subi %sign3A_610, %sign3A_613 : i32
      %sign3A_615 = arith.constant 0 : i32
      %sign3A_616 = arith.cmpi sgt, %jit3A_606, %sign3A_615 : i32
      %sign3A_617 = arith.extui %sign3A_616 : i1 to i32
      %sign3A_618 = arith.constant 0 : i32
      %sign3A_619 = arith.cmpi slt, %jit3A_606, %sign3A_618 : i32
      %sign3A_620 = arith.extui %sign3A_619 : i1 to i32
      %sign3A_621 = arith.subi %sign3A_617, %sign3A_620 : i32
      %ne3A_622 = arith.cmpi ne, %sign3A_614, %sign3A_621 : i32
      %rem3A_623 = arith.remsi %add3A_605, %jit3A_606 : i32
      %ne3A_624 = arith.constant 0 : i32
      %ne3A_625 = arith.cmpi ne, %rem3A_623, %ne3A_624 : i32
      %and3A_626 = arith.andi %ne3A_622, %ne3A_625 : i1
      %sub3A_627 = arith.constant 1 : i32
      %sub3A_628 = arith.subi %div3A_607, %sub3A_627 : i32
      %select_n3A_629 = arith.select %and3A_626, %sub3A_628, %div3A_607 : i32
      %jit3A_630 = arith.constant 32 : i32
      %eq3A_631 = arith.constant 0 : i32
      %eq3A_632 = arith.cmpi eq, %jit3A_630, %eq3A_631 : i32
      %jit3A_633 = arith.constant 1 : i32
      %select_n3A_634 = arith.select %eq3A_632, %jit3A_633, %jit3A_630 : i32
      %rem3A_635 = arith.remsi %add3A_605, %select_n3A_634 : i32
      %ne3A_636 = arith.constant 0 : i32
      %ne3A_637 = arith.cmpi ne, %rem3A_635, %ne3A_636 : i32
      %lt3A_638 = arith.constant 0 : i32
      %lt3A_639 = arith.cmpi slt, %rem3A_635, %lt3A_638 : i32
      %lt3A_640 = arith.constant 0 : i32
      %lt3A_641 = arith.cmpi slt, %select_n3A_634, %lt3A_640 : i32
      %ne3A_642 = arith.xori %lt3A_639, %lt3A_641 : i1
      %and3A_643 = arith.andi %ne3A_642, %ne3A_637 : i1
      %add3A_644 = arith.addi %rem3A_635, %select_n3A_634 : i32
      %select_n3A_645 = arith.select %and3A_643, %add3A_644, %rem3A_635 : i32
      %dma_start3A_646 = arith.constant 0 : i32
      %dma_start3A_647 = arith.constant 0 : i32
      %dma_start3A_648 = arith.constant 0 : i32
      %dma_start3A_649 = tpu.memref_slice %arg12[%dma_start3A_646, %dma_start3A_647, %dma_start3A_648] : memref<8x8x129xf32, #tpu.memory_space<vmem>> -> memref<8x8x128xf32, #tpu.memory_space<vmem>>
      %dma_start3A_650 = arith.constant 0 : i32
      %dma_start3A_651 = arith.constant 0 : i32
      %dma_start3A_652 = arith.constant 0 : i32
      %dma_start3A_653 = tpu.memref_slice %arg4[%select_n3A_629, %dma_start3A_650, %select_n3A_645, %dma_start3A_651, %dma_start3A_652] : memref<200x8x32x8x128xf32, #tpu.memory_space<hbm>> -> memref<1x8x1x8x128xf32, #tpu.memory_space<hbm>>
      %dma_start3A_654 = tpu.memref_squeeze %dma_start3A_653 : memref<1x8x1x8x128xf32, #tpu.memory_space<hbm>> -> memref<8x8x128xf32, #tpu.memory_space<hbm>>
      %dma_start3A_655 = arith.constant 0 : i32
      %dma_start3A_656 = arith.constant 0 : i32
      %dma_start3A_657 = arith.constant 0 : i32
      %dma_start3A_658 = tpu.memref_slice %arg4[%select_n3A_629, %dma_start3A_655, %select_n3A_645, %dma_start3A_656, %dma_start3A_657] : memref<200x8x32x8x128xf32, #tpu.memory_space<hbm>> -> memref<1x8x1x8x128xf32, #tpu.memory_space<hbm>>
      %dma_start3A_659 = tpu.memref_squeeze %dma_start3A_658 : memref<1x8x1x8x128xf32, #tpu.memory_space<hbm>> -> memref<8x8x128xf32, #tpu.memory_space<hbm>>
      %dma_start3A_660 = arith.constant 0 : i32
      %dma_start3A_661 = arith.constant 0 : i32
      %dma_start3A_662 = arith.constant 0 : i32
      %dma_start3A_663 = tpu.memref_slice %arg12[%dma_start3A_660, %dma_start3A_661, %dma_start3A_662] : memref<8x8x129xf32, #tpu.memory_space<vmem>> -> memref<8x8x128xf32, #tpu.memory_space<vmem>>
      tpu.enqueue_dma source(%dma_start3A_663 : memref<8x8x128xf32, #tpu.memory_space<vmem>>) target(%dma_start3A_659 : memref<8x8x128xf32, #tpu.memory_space<hbm>>) target_semaphore(%arg20 : memref<!tpu.dma_semaphore, #tpu.memory_space<semaphore_mem>>)
      %lt3A_664 = arith.constant 49 : i32
      %lt3A_665 = arith.cmpi slt, %scan3A_416, %lt3A_664 : i32
      %convert_element_type3A_666 = arith.extui %lt3A_665 : i1 to i32
      %cond3A_667 = arith.constant 0 : i32
      %cond3A_668 = arith.cmpi ne, %convert_element_type3A_666, %cond3A_667 : i32
      scf.if %cond3A_668 {
        %add3A_754 = arith.constant 4 : i32
        %add3A_755 = arith.addi %add3A_587, %add3A_754 : i32
        %mul3A_756 = arith.constant 128 : i32
        %mul3A_757 = arith.muli %add3A_755, %mul3A_756 : i32
        %dma_start3A_758 = tpu.memref_slice %arg5[%mul3A_757] : memref<25600xi32, #tpu.memory_space<vmem>> -> memref<128xi32, #tpu.memory_space<vmem>>
        %dma_start3A_759 = arith.constant 0 : i32
        %dma_start3A_760 = arith.constant 0 : i32
        %dma_start3A_761 = tpu.memref_slice %arg3[%dma_start3A_759, %dma_start3A_760] : memref<1000000x64xf32, #tpu.memory_space<hbm>> -> memref<1000000x64xf32, #tpu.memory_space<hbm>>
        tpu.enqueue_indirect_dma source(%dma_start3A_761 : memref<1000000x64xf32, #tpu.memory_space<hbm>>) target(%arg8 : memref<128x64xf32, #tpu.memory_space<vmem>>) offsets(%dma_start3A_758 : memref<128xi32, #tpu.memory_space<vmem>>) semaphore(%arg16 : memref<!tpu.dma_semaphore, #tpu.memory_space<semaphore_mem>>)
      } else {
      }
      %mul3A_669 = arith.constant 4 : i32
      %mul3A_670 = arith.muli %scan3A_416, %mul3A_669 : i32
      %add3A_671 = arith.constant 3 : i32
      %add3A_672 = arith.addi %mul3A_670, %add3A_671 : i32
      %mul3A_673 = arith.constant 128 : i32
      %mul3A_674 = arith.muli %add3A_672, %mul3A_673 : i32
      %dma_wait3A_675 = tpu.memref_slice %arg5[%mul3A_674] : memref<25600xi32, #tpu.memory_space<vmem>> -> memref<128xi32, #tpu.memory_space<vmem>>
      %dma_wait3A_676 = arith.constant 0 : i32
      %dma_wait3A_677 = arith.constant 0 : i32
      %dma_wait3A_678 = tpu.memref_slice %arg3[%dma_wait3A_676, %dma_wait3A_677] : memref<1000000x64xf32, #tpu.memory_space<hbm>> -> memref<1000000x64xf32, #tpu.memory_space<hbm>>
      tpu.wait_indirect_dma semaphore(%arg17 : memref<!tpu.dma_semaphore, #tpu.memory_space<semaphore_mem>>) src(%dma_wait3A_678 : memref<1000000x64xf32, #tpu.memory_space<hbm>>) dst(%arg9 : memref<128x64xf32, #tpu.memory_space<vmem>>)
      %gt3A_679 = arith.constant 0 : i32
      %gt3A_680 = arith.cmpi sgt, %scan3A_416, %gt3A_679 : i32
      %convert_element_type3A_681 = arith.extui %gt3A_680 : i1 to i32
      %cond3A_682 = arith.constant 0 : i32
      %cond3A_683 = arith.cmpi ne, %convert_element_type3A_681, %cond3A_682 : i32
      scf.if %cond3A_683 {
        %sub3A_754 = arith.constant 4 : i32
        %sub3A_755 = arith.subi %add3A_672, %sub3A_754 : i32
        %add3A_756 = arith.addi %mul3A_2, %sub3A_755 : i32
        %jit3A_757 = arith.constant 32 : i32
        %div3A_758 = arith.divsi %add3A_756, %jit3A_757 : i32
        %sign3A_759 = arith.constant 0 : i32
        %sign3A_760 = arith.cmpi sgt, %add3A_756, %sign3A_759 : i32
        %sign3A_761 = arith.extui %sign3A_760 : i1 to i32
        %sign3A_762 = arith.constant 0 : i32
        %sign3A_763 = arith.cmpi slt, %add3A_756, %sign3A_762 : i32
        %sign3A_764 = arith.extui %sign3A_763 : i1 to i32
        %sign3A_765 = arith.subi %sign3A_761, %sign3A_764 : i32
        %sign3A_766 = arith.constant 0 : i32
        %sign3A_767 = arith.cmpi sgt, %jit3A_757, %sign3A_766 : i32
        %sign3A_768 = arith.extui %sign3A_767 : i1 to i32
        %sign3A_769 = arith.constant 0 : i32
        %sign3A_770 = arith.cmpi slt, %jit3A_757, %sign3A_769 : i32
        %sign3A_771 = arith.extui %sign3A_770 : i1 to i32
        %sign3A_772 = arith.subi %sign3A_768, %sign3A_771 : i32
        %ne3A_773 = arith.cmpi ne, %sign3A_765, %sign3A_772 : i32
        %rem3A_774 = arith.remsi %add3A_756, %jit3A_757 : i32
        %ne3A_775 = arith.constant 0 : i32
        %ne3A_776 = arith.cmpi ne, %rem3A_774, %ne3A_775 : i32
        %and3A_777 = arith.andi %ne3A_773, %ne3A_776 : i1
        %sub3A_778 = arith.constant 1 : i32
        %sub3A_779 = arith.subi %div3A_758, %sub3A_778 : i32
        %select_n3A_780 = arith.select %and3A_777, %sub3A_779, %div3A_758 : i32
        %jit3A_781 = arith.constant 32 : i32
        %eq3A_782 = arith.constant 0 : i32
        %eq3A_783 = arith.cmpi eq, %jit3A_781, %eq3A_782 : i32
        %jit3A_784 = arith.constant 1 : i32
        %select_n3A_785 = arith.select %eq3A_783, %jit3A_784, %jit3A_781 : i32
        %rem3A_786 = arith.remsi %add3A_756, %select_n3A_785 : i32
        %ne3A_787 = arith.constant 0 : i32
        %ne3A_788 = arith.cmpi ne, %rem3A_786, %ne3A_787 : i32
        %lt3A_789 = arith.constant 0 : i32
        %lt3A_790 = arith.cmpi slt, %rem3A_786, %lt3A_789 : i32
        %lt3A_791 = arith.constant 0 : i32
        %lt3A_792 = arith.cmpi slt, %select_n3A_785, %lt3A_791 : i32
        %ne3A_793 = arith.xori %lt3A_790, %lt3A_792 : i1
        %and3A_794 = arith.andi %ne3A_793, %ne3A_788 : i1
        %add3A_795 = arith.addi %rem3A_786, %select_n3A_785 : i32
        %select_n3A_796 = arith.select %and3A_794, %add3A_795, %rem3A_786 : i32
        %dma_wait3A_797 = arith.constant 0 : i32
        %dma_wait3A_798 = arith.constant 0 : i32
        %dma_wait3A_799 = arith.constant 0 : i32
        %dma_wait3A_800 = tpu.memref_slice %arg13[%dma_wait3A_797, %dma_wait3A_798, %dma_wait3A_799] : memref<8x8x129xf32, #tpu.memory_space<vmem>> -> memref<8x8x128xf32, #tpu.memory_space<vmem>>
        %dma_wait3A_801 = arith.constant 0 : i32
        %dma_wait3A_802 = arith.constant 0 : i32
        %dma_wait3A_803 = arith.constant 0 : i32
        %dma_wait3A_804 = tpu.memref_slice %arg4[%select_n3A_780, %dma_wait3A_801, %select_n3A_796, %dma_wait3A_802, %dma_wait3A_803] : memref<200x8x32x8x128xf32, #tpu.memory_space<hbm>> -> memref<1x8x1x8x128xf32, #tpu.memory_space<hbm>>
        %dma_wait3A_805 = tpu.memref_squeeze %dma_wait3A_804 : memref<1x8x1x8x128xf32, #tpu.memory_space<hbm>> -> memref<8x8x128xf32, #tpu.memory_space<hbm>>
        %dma_wait3A_806 = arith.constant 0 : i32
        %dma_wait3A_807 = arith.constant 0 : i32
        %dma_wait3A_808 = arith.constant 0 : i32
        %dma_wait3A_809 = tpu.memref_slice %arg4[%select_n3A_780, %dma_wait3A_806, %select_n3A_796, %dma_wait3A_807, %dma_wait3A_808] : memref<200x8x32x8x128xf32, #tpu.memory_space<hbm>> -> memref<1x8x1x8x128xf32, #tpu.memory_space<hbm>>
        %dma_wait3A_810 = tpu.memref_squeeze %dma_wait3A_809 : memref<1x8x1x8x128xf32, #tpu.memory_space<hbm>> -> memref<8x8x128xf32, #tpu.memory_space<hbm>>
        %dma_wait3A_811 = arith.constant 0 : i32
        %dma_wait3A_812 = arith.constant 0 : i32
        %dma_wait3A_813 = arith.constant 0 : i32
        %dma_wait3A_814 = tpu.memref_slice %arg13[%dma_wait3A_811, %dma_wait3A_812, %dma_wait3A_813] : memref<8x8x129xf32, #tpu.memory_space<vmem>> -> memref<8x8x128xf32, #tpu.memory_space<vmem>>
        tpu.wait_dma2 semaphore(%arg21 : memref<!tpu.dma_semaphore, #tpu.memory_space<semaphore_mem>>) src(%dma_wait3A_814 : memref<8x8x128xf32, #tpu.memory_space<vmem>>) dst(%dma_wait3A_810 : memref<8x8x128xf32, #tpu.memory_space<hbm>>)
      } else {
      }
      %scan3A_684 = arith.constant 0 : i32
      %scan3A_685 = arith.constant 0 : i32
      %scan3A_686 = arith.constant 32 : i32
      %scan3A_687 = arith.addi %scan3A_685, %scan3A_686 : i32
      %scan3A_688 = arith.constant 1 : i32
      scf.for %scan3A_754 = %scan3A_685 to %scan3A_687 step %scan3A_688  : i32 {
        %mul3A_755 = arith.constant 4 : i32
        %mul3A_756 = arith.muli %scan3A_754, %mul3A_755 : i32
        %broadcast_in_dim3A = arith.constant 0 : i32
        %broadcast_in_dim3A_757 = vector.broadcast %broadcast_in_dim3A : i32 to vector<16xi32>
        %add3A_758 = arith.constant 0 : i32
        %add3A_759 = arith.addi %mul3A_756, %add3A_758 : i32
        %add3A_760 = vector.broadcast %add3A_759 : i32 to vector<16xi32>
        %add3A_761 = arith.addi %broadcast_in_dim3A_757, %add3A_760 : vector<16xi32>
        %broadcast_in_dim3A_762 = arith.constant 0 : i32
        %broadcast_in_dim3A_763 = vector.broadcast %broadcast_in_dim3A_762 : i32 to vector<16xi32>
        %add3A_764 = arith.constant 1 : i32
        %add3A_765 = arith.addi %mul3A_756, %add3A_764 : i32
        %add3A_766 = vector.broadcast %add3A_765 : i32 to vector<16xi32>
        %add3A_767 = arith.addi %broadcast_in_dim3A_763, %add3A_766 : vector<16xi32>
        %broadcast_in_dim3A_768 = arith.constant 0 : i32
        %broadcast_in_dim3A_769 = vector.broadcast %broadcast_in_dim3A_768 : i32 to vector<16xi32>
        %add3A_770 = arith.constant 2 : i32
        %add3A_771 = arith.addi %mul3A_756, %add3A_770 : i32
        %add3A_772 = vector.broadcast %add3A_771 : i32 to vector<16xi32>
        %add3A_773 = arith.addi %broadcast_in_dim3A_769, %add3A_772 : vector<16xi32>
        %broadcast_in_dim3A_774 = arith.constant 0 : i32
        %broadcast_in_dim3A_775 = vector.broadcast %broadcast_in_dim3A_774 : i32 to vector<16xi32>
        %add3A_776 = arith.constant 3 : i32
        %add3A_777 = arith.addi %mul3A_756, %add3A_776 : i32
        %add3A_778 = vector.broadcast %add3A_777 : i32 to vector<16xi32>
        %add3A_779 = arith.addi %broadcast_in_dim3A_775, %add3A_778 : vector<16xi32>
        %add3A_780 = arith.constant 0 : i32
        %add3A_781 = arith.addi %mul3A_756, %add3A_780 : i32
        %get3A = arith.index_cast %add3A_781 : i32 to index
        %get3A_782 = arith.constant 0 : index
        %get3A_783 = tpu.vector_load %arg9[%get3A, %get3A_782] {strides = array<i32>} : memref<128x64xf32, #tpu.memory_space<vmem>>, vector<16xf32>,
        %add3A_784 = arith.constant 0 : i32
        %add3A_785 = arith.addi %mul3A_756, %add3A_784 : i32
        %get3A_786 = arith.index_cast %add3A_785 : i32 to index
        %get3A_787 = arith.constant 16 : index
        %get3A_788 = tpu.vector_load %arg9[%get3A_786, %get3A_787] {strides = array<i32>} : memref<128x64xf32, #tpu.memory_space<vmem>>, vector<16xf32>,
        %add3A_789 = arith.constant 0 : i32
        %add3A_790 = arith.addi %mul3A_756, %add3A_789 : i32
        %get3A_791 = arith.index_cast %add3A_790 : i32 to index
        %get3A_792 = arith.constant 32 : index
        %get3A_793 = tpu.vector_load %arg9[%get3A_791, %get3A_792] {strides = array<i32>} : memref<128x64xf32, #tpu.memory_space<vmem>>, vector<16xf32>,
        %add3A_794 = arith.constant 0 : i32
        %add3A_795 = arith.addi %mul3A_756, %add3A_794 : i32
        %get3A_796 = arith.index_cast %add3A_795 : i32 to index
        %get3A_797 = arith.constant 48 : index
        %get3A_798 = tpu.vector_load %arg9[%get3A_796, %get3A_797] {strides = array<i32>} : memref<128x64xf32, #tpu.memory_space<vmem>>, vector<16xf32>,
        %add3A_799 = arith.constant 1 : i32
        %add3A_800 = arith.addi %mul3A_756, %add3A_799 : i32
        %get3A_801 = arith.index_cast %add3A_800 : i32 to index
        %get3A_802 = arith.constant 0 : index
        %get3A_803 = tpu.vector_load %arg9[%get3A_801, %get3A_802] {strides = array<i32>} : memref<128x64xf32, #tpu.memory_space<vmem>>, vector<16xf32>,
        %add3A_804 = arith.constant 1 : i32
        %add3A_805 = arith.addi %mul3A_756, %add3A_804 : i32
        %get3A_806 = arith.index_cast %add3A_805 : i32 to index
        %get3A_807 = arith.constant 16 : index
        %get3A_808 = tpu.vector_load %arg9[%get3A_806, %get3A_807] {strides = array<i32>} : memref<128x64xf32, #tpu.memory_space<vmem>>, vector<16xf32>,
        %add3A_809 = arith.constant 1 : i32
        %add3A_810 = arith.addi %mul3A_756, %add3A_809 : i32
        %get3A_811 = arith.index_cast %add3A_810 : i32 to index
        %get3A_812 = arith.constant 32 : index
        %get3A_813 = tpu.vector_load %arg9[%get3A_811, %get3A_812] {strides = array<i32>} : memref<128x64xf32, #tpu.memory_space<vmem>>, vector<16xf32>,
        %add3A_814 = arith.constant 1 : i32
        %add3A_815 = arith.addi %mul3A_756, %add3A_814 : i32
        %get3A_816 = arith.index_cast %add3A_815 : i32 to index
        %get3A_817 = arith.constant 48 : index
        %get3A_818 = tpu.vector_load %arg9[%get3A_816, %get3A_817] {strides = array<i32>} : memref<128x64xf32, #tpu.memory_space<vmem>>, vector<16xf32>,
        %add3A_819 = arith.constant 2 : i32
        %add3A_820 = arith.addi %mul3A_756, %add3A_819 : i32
        %get3A_821 = arith.index_cast %add3A_820 : i32 to index
        %get3A_822 = arith.constant 0 : index
        %get3A_823 = tpu.vector_load %arg9[%get3A_821, %get3A_822] {strides = array<i32>} : memref<128x64xf32, #tpu.memory_space<vmem>>, vector<16xf32>,
        %add3A_824 = arith.constant 2 : i32
        %add3A_825 = arith.addi %mul3A_756, %add3A_824 : i32
        %get3A_826 = arith.index_cast %add3A_825 : i32 to index
        %get3A_827 = arith.constant 16 : index
        %get3A_828 = tpu.vector_load %arg9[%get3A_826, %get3A_827] {strides = array<i32>} : memref<128x64xf32, #tpu.memory_space<vmem>>, vector<16xf32>,
        %add3A_829 = arith.constant 2 : i32
        %add3A_830 = arith.addi %mul3A_756, %add3A_829 : i32
        %get3A_831 = arith.index_cast %add3A_830 : i32 to index
        %get3A_832 = arith.constant 32 : index
        %get3A_833 = tpu.vector_load %arg9[%get3A_831, %get3A_832] {strides = array<i32>} : memref<128x64xf32, #tpu.memory_space<vmem>>, vector<16xf32>,
        %add3A_834 = arith.constant 2 : i32
        %add3A_835 = arith.addi %mul3A_756, %add3A_834 : i32
        %get3A_836 = arith.index_cast %add3A_835 : i32 to index
        %get3A_837 = arith.constant 48 : index
        %get3A_838 = tpu.vector_load %arg9[%get3A_836, %get3A_837] {strides = array<i32>} : memref<128x64xf32, #tpu.memory_space<vmem>>, vector<16xf32>,
        %add3A_839 = arith.constant 3 : i32
        %add3A_840 = arith.addi %mul3A_756, %add3A_839 : i32
        %get3A_841 = arith.index_cast %add3A_840 : i32 to index
        %get3A_842 = arith.constant 0 : index
        %get3A_843 = tpu.vector_load %arg9[%get3A_841, %get3A_842] {strides = array<i32>} : memref<128x64xf32, #tpu.memory_space<vmem>>, vector<16xf32>,
        %add3A_844 = arith.constant 3 : i32
        %add3A_845 = arith.addi %mul3A_756, %add3A_844 : i32
        %get3A_846 = arith.index_cast %add3A_845 : i32 to index
        %get3A_847 = arith.constant 16 : index
        %get3A_848 = tpu.vector_load %arg9[%get3A_846, %get3A_847] {strides = array<i32>} : memref<128x64xf32, #tpu.memory_space<vmem>>, vector<16xf32>,
        %add3A_849 = arith.constant 3 : i32
        %add3A_850 = arith.addi %mul3A_756, %add3A_849 : i32
        %get3A_851 = arith.index_cast %add3A_850 : i32 to index
        %get3A_852 = arith.constant 32 : index
        %get3A_853 = tpu.vector_load %arg9[%get3A_851, %get3A_852] {strides = array<i32>} : memref<128x64xf32, #tpu.memory_space<vmem>>, vector<16xf32>,
        %add3A_854 = arith.constant 3 : i32
        %add3A_855 = arith.addi %mul3A_756, %add3A_854 : i32
        %get3A_856 = arith.index_cast %add3A_855 : i32 to index
        %get3A_857 = arith.constant 48 : index
        %get3A_858 = tpu.vector_load %arg9[%get3A_856, %get3A_857] {strides = array<i32>} : memref<128x64xf32, #tpu.memory_space<vmem>>, vector<16xf32>,
        tpu.vector_store_idx %arg13[%select_n3A, %select_n3A_150, %add3A_761], %get3A_783 : memref<8x8x129xf32, #tpu.memory_space<vmem>>[vector<16xi32>, vector<16xi32>, vector<16xi32>], vector<16xf32>,
        tpu.vector_store_idx %arg13[%select_n3A_62, %select_n3A_150, %add3A_761], %get3A_788 : memref<8x8x129xf32, #tpu.memory_space<vmem>>[vector<16xi32>, vector<16xi32>, vector<16xi32>], vector<16xf32>,
        tpu.vector_store_idx %arg13[%select_n3A_96, %select_n3A_150, %add3A_761], %get3A_793 : memref<8x8x129xf32, #tpu.memory_space<vmem>>[vector<16xi32>, vector<16xi32>, vector<16xi32>], vector<16xf32>,
        tpu.vector_store_idx %arg13[%select_n3A_130, %select_n3A_150, %add3A_761], %get3A_798 : memref<8x8x129xf32, #tpu.memory_space<vmem>>[vector<16xi32>, vector<16xi32>, vector<16xi32>], vector<16xf32>,
        tpu.vector_store_idx %arg13[%select_n3A, %select_n3A_150, %add3A_767], %get3A_803 : memref<8x8x129xf32, #tpu.memory_space<vmem>>[vector<16xi32>, vector<16xi32>, vector<16xi32>], vector<16xf32>,
        tpu.vector_store_idx %arg13[%select_n3A_62, %select_n3A_150, %add3A_767], %get3A_808 : memref<8x8x129xf32, #tpu.memory_space<vmem>>[vector<16xi32>, vector<16xi32>, vector<16xi32>], vector<16xf32>,
        tpu.vector_store_idx %arg13[%select_n3A_96, %select_n3A_150, %add3A_767], %get3A_813 : memref<8x8x129xf32, #tpu.memory_space<vmem>>[vector<16xi32>, vector<16xi32>, vector<16xi32>], vector<16xf32>,
        tpu.vector_store_idx %arg13[%select_n3A_130, %select_n3A_150, %add3A_767], %get3A_818 : memref<8x8x129xf32, #tpu.memory_space<vmem>>[vector<16xi32>, vector<16xi32>, vector<16xi32>], vector<16xf32>,
        tpu.vector_store_idx %arg13[%select_n3A, %select_n3A_150, %add3A_773], %get3A_823 : memref<8x8x129xf32, #tpu.memory_space<vmem>>[vector<16xi32>, vector<16xi32>, vector<16xi32>], vector<16xf32>,
        tpu.vector_store_idx %arg13[%select_n3A_62, %select_n3A_150, %add3A_773], %get3A_828 : memref<8x8x129xf32, #tpu.memory_space<vmem>>[vector<16xi32>, vector<16xi32>, vector<16xi32>], vector<16xf32>,
        tpu.vector_store_idx %arg13[%select_n3A_96, %select_n3A_150, %add3A_773], %get3A_833 : memref<8x8x129xf32, #tpu.memory_space<vmem>>[vector<16xi32>, vector<16xi32>, vector<16xi32>], vector<16xf32>,
        tpu.vector_store_idx %arg13[%select_n3A_130, %select_n3A_150, %add3A_773], %get3A_838 : memref<8x8x129xf32, #tpu.memory_space<vmem>>[vector<16xi32>, vector<16xi32>, vector<16xi32>], vector<16xf32>,
        tpu.vector_store_idx %arg13[%select_n3A, %select_n3A_150, %add3A_779], %get3A_843 : memref<8x8x129xf32, #tpu.memory_space<vmem>>[vector<16xi32>, vector<16xi32>, vector<16xi32>], vector<16xf32>,
        tpu.vector_store_idx %arg13[%select_n3A_62, %select_n3A_150, %add3A_779], %get3A_848 : memref<8x8x129xf32, #tpu.memory_space<vmem>>[vector<16xi32>, vector<16xi32>, vector<16xi32>], vector<16xf32>,
        tpu.vector_store_idx %arg13[%select_n3A_96, %select_n3A_150, %add3A_779], %get3A_853 : memref<8x8x129xf32, #tpu.memory_space<vmem>>[vector<16xi32>, vector<16xi32>, vector<16xi32>], vector<16xf32>,
        tpu.vector_store_idx %arg13[%select_n3A_130, %select_n3A_150, %add3A_779], %get3A_858 : memref<8x8x129xf32, #tpu.memory_space<vmem>>[vector<16xi32>, vector<16xi32>, vector<16xi32>], vector<16xf32>,
      }
      %scan3A_689 = arith.constant 32 : i32
      %add3A_690 = arith.addi %mul3A_2, %add3A_672 : i32
      %jit3A_691 = arith.constant 32 : i32
      %div3A_692 = arith.divsi %add3A_690, %jit3A_691 : i32
      %sign3A_693 = arith.constant 0 : i32
      %sign3A_694 = arith.cmpi sgt, %add3A_690, %sign3A_693 : i32
      %sign3A_695 = arith.extui %sign3A_694 : i1 to i32
      %sign3A_696 = arith.constant 0 : i32
      %sign3A_697 = arith.cmpi slt, %add3A_690, %sign3A_696 : i32
      %sign3A_698 = arith.extui %sign3A_697 : i1 to i32
      %sign3A_699 = arith.subi %sign3A_695, %sign3A_698 : i32
      %sign3A_700 = arith.constant 0 : i32
      %sign3A_701 = arith.cmpi sgt, %jit3A_691, %sign3A_700 : i32
      %sign3A_702 = arith.extui %sign3A_701 : i1 to i32
      %sign3A_703 = arith.constant 0 : i32
      %sign3A_704 = arith.cmpi slt, %jit3A_691, %sign3A_703 : i32
      %sign3A_705 = arith.extui %sign3A_704 : i1 to i32
      %sign3A_706 = arith.subi %sign3A_702, %sign3A_705 : i32
      %ne3A_707 = arith.cmpi ne, %sign3A_699, %sign3A_706 : i32
      %rem3A_708 = arith.remsi %add3A_690, %jit3A_691 : i32
      %ne3A_709 = arith.constant 0 : i32
      %ne3A_710 = arith.cmpi ne, %rem3A_708, %ne3A_709 : i32
      %and3A_711 = arith.andi %ne3A_707, %ne3A_710 : i1
      %sub3A_712 = arith.constant 1 : i32
      %sub3A_713 = arith.subi %div3A_692, %sub3A_712 : i32
      %select_n3A_714 = arith.select %and3A_711, %sub3A_713, %div3A_692 : i32
      %jit3A_715 = arith.constant 32 : i32
      %eq3A_716 = arith.constant 0 : i32
      %eq3A_717 = arith.cmpi eq, %jit3A_715, %eq3A_716 : i32
      %jit3A_718 = arith.constant 1 : i32
      %select_n3A_719 = arith.select %eq3A_717, %jit3A_718, %jit3A_715 : i32
      %rem3A_720 = arith.remsi %add3A_690, %select_n3A_719 : i32
      %ne3A_721 = arith.constant 0 : i32
      %ne3A_722 = arith.cmpi ne, %rem3A_720, %ne3A_721 : i32
      %lt3A_723 = arith.constant 0 : i32
      %lt3A_724 = arith.cmpi slt, %rem3A_720, %lt3A_723 : i32
      %lt3A_725 = arith.constant 0 : i32
      %lt3A_726 = arith.cmpi slt, %select_n3A_719, %lt3A_725 : i32
      %ne3A_727 = arith.xori %lt3A_724, %lt3A_726 : i1
      %and3A_728 = arith.andi %ne3A_727, %ne3A_722 : i1
      %add3A_729 = arith.addi %rem3A_720, %select_n3A_719 : i32
      %select_n3A_730 = arith.select %and3A_728, %add3A_729, %rem3A_720 : i32
      %dma_start3A_731 = arith.constant 0 : i32
      %dma_start3A_732 = arith.constant 0 : i32
      %dma_start3A_733 = arith.constant 0 : i32
      %dma_start3A_734 = tpu.memref_slice %arg13[%dma_start3A_731, %dma_start3A_732, %dma_start3A_733] : memref<8x8x129xf32, #tpu.memory_space<vmem>> -> memref<8x8x128xf32, #tpu.memory_space<vmem>>
      %dma_start3A_735 = arith.constant 0 : i32
      %dma_start3A_736 = arith.constant 0 : i32
      %dma_start3A_737 = arith.constant 0 : i32
      %dma_start3A_738 = tpu.memref_slice %arg4[%select_n3A_714, %dma_start3A_735, %select_n3A_730, %dma_start3A_736, %dma_start3A_737] : memref<200x8x32x8x128xf32, #tpu.memory_space<hbm>> -> memref<1x8x1x8x128xf32, #tpu.memory_space<hbm>>
      %dma_start3A_739 = tpu.memref_squeeze %dma_start3A_738 : memref<1x8x1x8x128xf32, #tpu.memory_space<hbm>> -> memref<8x8x128xf32, #tpu.memory_space<hbm>>
      %dma_start3A_740 = arith.constant 0 : i32
      %dma_start3A_741 = arith.constant 0 : i32
      %dma_start3A_742 = arith.constant 0 : i32
      %dma_start3A_743 = tpu.memref_slice %arg4[%select_n3A_714, %dma_start3A_740, %select_n3A_730, %dma_start3A_741, %dma_start3A_742] : memref<200x8x32x8x128xf32, #tpu.memory_space<hbm>> -> memref<1x8x1x8x128xf32, #tpu.memory_space<hbm>>
      %dma_start3A_744 = tpu.memref_squeeze %dma_start3A_743 : memref<1x8x1x8x128xf32, #tpu.memory_space<hbm>> -> memref<8x8x128xf32, #tpu.memory_space<hbm>>
      %dma_start3A_745 = arith.constant 0 : i32
      %dma_start3A_746 = arith.constant 0 : i32
      %dma_start3A_747 = arith.constant 0 : i32
      %dma_start3A_748 = tpu.memref_slice %arg13[%dma_start3A_745, %dma_start3A_746, %dma_start3A_747] : memref<8x8x129xf32, #tpu.memory_space<vmem>> -> memref<8x8x128xf32, #tpu.memory_space<vmem>>
      tpu.enqueue_dma source(%dma_start3A_748 : memref<8x8x128xf32, #tpu.memory_space<vmem>>) target(%dma_start3A_744 : memref<8x8x128xf32, #tpu.memory_space<hbm>>) target_semaphore(%arg21 : memref<!tpu.dma_semaphore, #tpu.memory_space<semaphore_mem>>)
      %lt3A_749 = arith.constant 49 : i32
      %lt3A_750 = arith.cmpi slt, %scan3A_416, %lt3A_749 : i32
      %convert_element_type3A_751 = arith.extui %lt3A_750 : i1 to i32
      %cond3A_752 = arith.constant 0 : i32
      %cond3A_753 = arith.cmpi ne, %convert_element_type3A_751, %cond3A_752 : i32
      scf.if %cond3A_753 {
        %add3A_754 = arith.constant 4 : i32
        %add3A_755 = arith.addi %add3A_672, %add3A_754 : i32
        %mul3A_756 = arith.constant 128 : i32
        %mul3A_757 = arith.muli %add3A_755, %mul3A_756 : i32
        %dma_start3A_758 = tpu.memref_slice %arg5[%mul3A_757] : memref<25600xi32, #tpu.memory_space<vmem>> -> memref<128xi32, #tpu.memory_space<vmem>>
        %dma_start3A_759 = arith.constant 0 : i32
        %dma_start3A_760 = arith.constant 0 : i32
        %dma_start3A_761 = tpu.memref_slice %arg3[%dma_start3A_759, %dma_start3A_760] : memref<1000000x64xf32, #tpu.memory_space<hbm>> -> memref<1000000x64xf32, #tpu.memory_space<hbm>>
        tpu.enqueue_indirect_dma source(%dma_start3A_761 : memref<1000000x64xf32, #tpu.memory_space<hbm>>) target(%arg9 : memref<128x64xf32, #tpu.memory_space<vmem>>) offsets(%dma_start3A_758 : memref<128xi32, #tpu.memory_space<vmem>>) semaphore(%arg17 : memref<!tpu.dma_semaphore, #tpu.memory_space<semaphore_mem>>)
      } else {
      }
    }
    %scan3A_176 = arith.constant 50 : i32
    %add3A_177 = arith.constant 196 : i32
    %add3A_178 = arith.addi %mul3A_2, %add3A_177 : i32
    %jit3A_179 = arith.constant 32 : i32
    %div3A_180 = arith.divsi %add3A_178, %jit3A_179 : i32
    %sign3A_181 = arith.constant 0 : i32
    %sign3A_182 = arith.cmpi sgt, %add3A_178, %sign3A_181 : i32
    %sign3A_183 = arith.extui %sign3A_182 : i1 to i32
    %sign3A_184 = arith.constant 0 : i32
    %sign3A_185 = arith.cmpi slt, %add3A_178, %sign3A_184 : i32
    %sign3A_186 = arith.extui %sign3A_185 : i1 to i32
    %sign3A_187 = arith.subi %sign3A_183, %sign3A_186 : i32
    %sign3A_188 = arith.constant 0 : i32
    %sign3A_189 = arith.cmpi sgt, %jit3A_179, %sign3A_188 : i32
    %sign3A_190 = arith.extui %sign3A_189 : i1 to i32
    %sign3A_191 = arith.constant 0 : i32
    %sign3A_192 = arith.cmpi slt, %jit3A_179, %sign3A_191 : i32
    %sign3A_193 = arith.extui %sign3A_192 : i1 to i32
    %sign3A_194 = arith.subi %sign3A_190, %sign3A_193 : i32
    %ne3A_195 = arith.cmpi ne, %sign3A_187, %sign3A_194 : i32
    %rem3A_196 = arith.remsi %add3A_178, %jit3A_179 : i32
    %ne3A_197 = arith.constant 0 : i32
    %ne3A_198 = arith.cmpi ne, %rem3A_196, %ne3A_197 : i32
    %and3A_199 = arith.andi %ne3A_195, %ne3A_198 : i1
    %sub3A_200 = arith.constant 1 : i32
    %sub3A_201 = arith.subi %div3A_180, %sub3A_200 : i32
    %select_n3A_202 = arith.select %and3A_199, %sub3A_201, %div3A_180 : i32
    %jit3A_203 = arith.constant 32 : i32
    %eq3A_204 = arith.constant 0 : i32
    %eq3A_205 = arith.cmpi eq, %jit3A_203, %eq3A_204 : i32
    %jit3A_206 = arith.constant 1 : i32
    %select_n3A_207 = arith.select %eq3A_205, %jit3A_206, %jit3A_203 : i32
    %rem3A_208 = arith.remsi %add3A_178, %select_n3A_207 : i32
    %ne3A_209 = arith.constant 0 : i32
    %ne3A_210 = arith.cmpi ne, %rem3A_208, %ne3A_209 : i32
    %lt3A_211 = arith.constant 0 : i32
    %lt3A_212 = arith.cmpi slt, %rem3A_208, %lt3A_211 : i32
    %lt3A_213 = arith.constant 0 : i32
    %lt3A_214 = arith.cmpi slt, %select_n3A_207, %lt3A_213 : i32
    %ne3A_215 = arith.xori %lt3A_212, %lt3A_214 : i1
    %and3A_216 = arith.andi %ne3A_215, %ne3A_210 : i1
    %add3A_217 = arith.addi %rem3A_208, %select_n3A_207 : i32
    %select_n3A_218 = arith.select %and3A_216, %add3A_217, %rem3A_208 : i32
    %dma_wait3A = arith.constant 0 : i32
    %dma_wait3A_219 = arith.constant 0 : i32
    %dma_wait3A_220 = arith.constant 0 : i32
    %dma_wait3A_221 = tpu.memref_slice %arg10[%dma_wait3A, %dma_wait3A_219, %dma_wait3A_220] : memref<8x8x129xf32, #tpu.memory_space<vmem>> -> memref<8x8x128xf32, #tpu.memory_space<vmem>>
    %dma_wait3A_222 = arith.constant 0 : i32
    %dma_wait3A_223 = arith.constant 0 : i32
    %dma_wait3A_224 = arith.constant 0 : i32
    %dma_wait3A_225 = tpu.memref_slice %arg4[%select_n3A_202, %dma_wait3A_222, %select_n3A_218, %dma_wait3A_223, %dma_wait3A_224] : memref<200x8x32x8x128xf32, #tpu.memory_space<hbm>> -> memref<1x8x1x8x128xf32, #tpu.memory_space<hbm>>
    %dma_wait3A_226 = tpu.memref_squeeze %dma_wait3A_225 : memref<1x8x1x8x128xf32, #tpu.memory_space<hbm>> -> memref<8x8x128xf32, #tpu.memory_space<hbm>>
    %dma_wait3A_227 = arith.constant 0 : i32
    %dma_wait3A_228 = arith.constant 0 : i32
    %dma_wait3A_229 = arith.constant 0 : i32
    %dma_wait3A_230 = tpu.memref_slice %arg4[%select_n3A_202, %dma_wait3A_227, %select_n3A_218, %dma_wait3A_228, %dma_wait3A_229] : memref<200x8x32x8x128xf32, #tpu.memory_space<hbm>> -> memref<1x8x1x8x128xf32, #tpu.memory_space<hbm>>
    %dma_wait3A_231 = tpu.memref_squeeze %dma_wait3A_230 : memref<1x8x1x8x128xf32, #tpu.memory_space<hbm>> -> memref<8x8x128xf32, #tpu.memory_space<hbm>>
    %dma_wait3A_232 = arith.constant 0 : i32
    %dma_wait3A_233 = arith.constant 0 : i32
    %dma_wait3A_234 = arith.constant 0 : i32
    %dma_wait3A_235 = tpu.memref_slice %arg10[%dma_wait3A_232, %dma_wait3A_233, %dma_wait3A_234] : memref<8x8x129xf32, #tpu.memory_space<vmem>> -> memref<8x8x128xf32, #tpu.memory_space<vmem>>
    tpu.wait_dma2 semaphore(%arg18 : memref<!tpu.dma_semaphore, #tpu.memory_space<semaphore_mem>>) src(%dma_wait3A_235 : memref<8x8x128xf32, #tpu.memory_space<vmem>>) dst(%dma_wait3A_231 : memref<8x8x128xf32, #tpu.memory_space<hbm>>)
    %add3A_236 = arith.constant 197 : i32
    %add3A_237 = arith.addi %mul3A_2, %add3A_236 : i32
    %jit3A_238 = arith.constant 32 : i32
    %div3A_239 = arith.divsi %add3A_237, %jit3A_238 : i32
    %sign3A_240 = arith.constant 0 : i32
    %sign3A_241 = arith.cmpi sgt, %add3A_237, %sign3A_240 : i32
    %sign3A_242 = arith.extui %sign3A_241 : i1 to i32
    %sign3A_243 = arith.constant 0 : i32
    %sign3A_244 = arith.cmpi slt, %add3A_237, %sign3A_243 : i32
    %sign3A_245 = arith.extui %sign3A_244 : i1 to i32
    %sign3A_246 = arith.subi %sign3A_242, %sign3A_245 : i32
    %sign3A_247 = arith.constant 0 : i32
    %sign3A_248 = arith.cmpi sgt, %jit3A_238, %sign3A_247 : i32
    %sign3A_249 = arith.extui %sign3A_248 : i1 to i32
    %sign3A_250 = arith.constant 0 : i32
    %sign3A_251 = arith.cmpi slt, %jit3A_238, %sign3A_250 : i32
    %sign3A_252 = arith.extui %sign3A_251 : i1 to i32
    %sign3A_253 = arith.subi %sign3A_249, %sign3A_252 : i32
    %ne3A_254 = arith.cmpi ne, %sign3A_246, %sign3A_253 : i32
    %rem3A_255 = arith.remsi %add3A_237, %jit3A_238 : i32
    %ne3A_256 = arith.constant 0 : i32
    %ne3A_257 = arith.cmpi ne, %rem3A_255, %ne3A_256 : i32
    %and3A_258 = arith.andi %ne3A_254, %ne3A_257 : i1
    %sub3A_259 = arith.constant 1 : i32
    %sub3A_260 = arith.subi %div3A_239, %sub3A_259 : i32
    %select_n3A_261 = arith.select %and3A_258, %sub3A_260, %div3A_239 : i32
    %jit3A_262 = arith.constant 32 : i32
    %eq3A_263 = arith.constant 0 : i32
    %eq3A_264 = arith.cmpi eq, %jit3A_262, %eq3A_263 : i32
    %jit3A_265 = arith.constant 1 : i32
    %select_n3A_266 = arith.select %eq3A_264, %jit3A_265, %jit3A_262 : i32
    %rem3A_267 = arith.remsi %add3A_237, %select_n3A_266 : i32
    %ne3A_268 = arith.constant 0 : i32
    %ne3A_269 = arith.cmpi ne, %rem3A_267, %ne3A_268 : i32
    %lt3A_270 = arith.constant 0 : i32
    %lt3A_271 = arith.cmpi slt, %rem3A_267, %lt3A_270 : i32
    %lt3A_272 = arith.constant 0 : i32
    %lt3A_273 = arith.cmpi slt, %select_n3A_266, %lt3A_272 : i32
    %ne3A_274 = arith.xori %lt3A_271, %lt3A_273 : i1
    %and3A_275 = arith.andi %ne3A_274, %ne3A_269 : i1
    %add3A_276 = arith.addi %rem3A_267, %select_n3A_266 : i32
    %select_n3A_277 = arith.select %and3A_275, %add3A_276, %rem3A_267 : i32
    %dma_wait3A_278 = arith.constant 0 : i32
    %dma_wait3A_279 = arith.constant 0 : i32
    %dma_wait3A_280 = arith.constant 0 : i32
    %dma_wait3A_281 = tpu.memref_slice %arg11[%dma_wait3A_278, %dma_wait3A_279, %dma_wait3A_280] : memref<8x8x129xf32, #tpu.memory_space<vmem>> -> memref<8x8x128xf32, #tpu.memory_space<vmem>>
    %dma_wait3A_282 = arith.constant 0 : i32
    %dma_wait3A_283 = arith.constant 0 : i32
    %dma_wait3A_284 = arith.constant 0 : i32
    %dma_wait3A_285 = tpu.memref_slice %arg4[%select_n3A_261, %dma_wait3A_282, %select_n3A_277, %dma_wait3A_283, %dma_wait3A_284] : memref<200x8x32x8x128xf32, #tpu.memory_space<hbm>> -> memref<1x8x1x8x128xf32, #tpu.memory_space<hbm>>
    %dma_wait3A_286 = tpu.memref_squeeze %dma_wait3A_285 : memref<1x8x1x8x128xf32, #tpu.memory_space<hbm>> -> memref<8x8x128xf32, #tpu.memory_space<hbm>>
    %dma_wait3A_287 = arith.constant 0 : i32
    %dma_wait3A_288 = arith.constant 0 : i32
    %dma_wait3A_289 = arith.constant 0 : i32
    %dma_wait3A_290 = tpu.memref_slice %arg4[%select_n3A_261, %dma_wait3A_287, %select_n3A_277, %dma_wait3A_288, %dma_wait3A_289] : memref<200x8x32x8x128xf32, #tpu.memory_space<hbm>> -> memref<1x8x1x8x128xf32, #tpu.memory_space<hbm>>
    %dma_wait3A_291 = tpu.memref_squeeze %dma_wait3A_290 : memref<1x8x1x8x128xf32, #tpu.memory_space<hbm>> -> memref<8x8x128xf32, #tpu.memory_space<hbm>>
    %dma_wait3A_292 = arith.constant 0 : i32
    %dma_wait3A_293 = arith.constant 0 : i32
    %dma_wait3A_294 = arith.constant 0 : i32
    %dma_wait3A_295 = tpu.memref_slice %arg11[%dma_wait3A_292, %dma_wait3A_293, %dma_wait3A_294] : memref<8x8x129xf32, #tpu.memory_space<vmem>> -> memref<8x8x128xf32, #tpu.memory_space<vmem>>
    tpu.wait_dma2 semaphore(%arg19 : memref<!tpu.dma_semaphore, #tpu.memory_space<semaphore_mem>>) src(%dma_wait3A_295 : memref<8x8x128xf32, #tpu.memory_space<vmem>>) dst(%dma_wait3A_291 : memref<8x8x128xf32, #tpu.memory_space<hbm>>)
    %add3A_296 = arith.constant 198 : i32
    %add3A_297 = arith.addi %mul3A_2, %add3A_296 : i32
    %jit3A_298 = arith.constant 32 : i32
    %div3A_299 = arith.divsi %add3A_297, %jit3A_298 : i32
    %sign3A_300 = arith.constant 0 : i32
    %sign3A_301 = arith.cmpi sgt, %add3A_297, %sign3A_300 : i32
    %sign3A_302 = arith.extui %sign3A_301 : i1 to i32
    %sign3A_303 = arith.constant 0 : i32
    %sign3A_304 = arith.cmpi slt, %add3A_297, %sign3A_303 : i32
    %sign3A_305 = arith.extui %sign3A_304 : i1 to i32
    %sign3A_306 = arith.subi %sign3A_302, %sign3A_305 : i32
    %sign3A_307 = arith.constant 0 : i32
    %sign3A_308 = arith.cmpi sgt, %jit3A_298, %sign3A_307 : i32
    %sign3A_309 = arith.extui %sign3A_308 : i1 to i32
    %sign3A_310 = arith.constant 0 : i32
    %sign3A_311 = arith.cmpi slt, %jit3A_298, %sign3A_310 : i32
    %sign3A_312 = arith.extui %sign3A_311 : i1 to i32
    %sign3A_313 = arith.subi %sign3A_309, %sign3A_312 : i32
    %ne3A_314 = arith.cmpi ne, %sign3A_306, %sign3A_313 : i32
    %rem3A_315 = arith.remsi %add3A_297, %jit3A_298 : i32
    %ne3A_316 = arith.constant 0 : i32
    %ne3A_317 = arith.cmpi ne, %rem3A_315, %ne3A_316 : i32
    %and3A_318 = arith.andi %ne3A_314, %ne3A_317 : i1
    %sub3A_319 = arith.constant 1 : i32
    %sub3A_320 = arith.subi %div3A_299, %sub3A_319 : i32
    %select_n3A_321 = arith.select %and3A_318, %sub3A_320, %div3A_299 : i32
    %jit3A_322 = arith.constant 32 : i32
    %eq3A_323 = arith.constant 0 : i32
    %eq3A_324 = arith.cmpi eq, %jit3A_322, %eq3A_323 : i32
    %jit3A_325 = arith.constant 1 : i32
    %select_n3A_326 = arith.select %eq3A_324, %jit3A_325, %jit3A_322 : i32
    %rem3A_327 = arith.remsi %add3A_297, %select_n3A_326 : i32
    %ne3A_328 = arith.constant 0 : i32
    %ne3A_329 = arith.cmpi ne, %rem3A_327, %ne3A_328 : i32
    %lt3A_330 = arith.constant 0 : i32
    %lt3A_331 = arith.cmpi slt, %rem3A_327, %lt3A_330 : i32
    %lt3A_332 = arith.constant 0 : i32
    %lt3A_333 = arith.cmpi slt, %select_n3A_326, %lt3A_332 : i32
    %ne3A_334 = arith.xori %lt3A_331, %lt3A_333 : i1
    %and3A_335 = arith.andi %ne3A_334, %ne3A_329 : i1
    %add3A_336 = arith.addi %rem3A_327, %select_n3A_326 : i32
    %select_n3A_337 = arith.select %and3A_335, %add3A_336, %rem3A_327 : i32
    %dma_wait3A_338 = arith.constant 0 : i32
    %dma_wait3A_339 = arith.constant 0 : i32
    %dma_wait3A_340 = arith.constant 0 : i32
    %dma_wait3A_341 = tpu.memref_slice %arg12[%dma_wait3A_338, %dma_wait3A_339, %dma_wait3A_340] : memref<8x8x129xf32, #tpu.memory_space<vmem>> -> memref<8x8x128xf32, #tpu.memory_space<vmem>>
    %dma_wait3A_342 = arith.constant 0 : i32
    %dma_wait3A_343 = arith.constant 0 : i32
    %dma_wait3A_344 = arith.constant 0 : i32
    %dma_wait3A_345 = tpu.memref_slice %arg4[%select_n3A_321, %dma_wait3A_342, %select_n3A_337, %dma_wait3A_343, %dma_wait3A_344] : memref<200x8x32x8x128xf32, #tpu.memory_space<hbm>> -> memref<1x8x1x8x128xf32, #tpu.memory_space<hbm>>
    %dma_wait3A_346 = tpu.memref_squeeze %dma_wait3A_345 : memref<1x8x1x8x128xf32, #tpu.memory_space<hbm>> -> memref<8x8x128xf32, #tpu.memory_space<hbm>>
    %dma_wait3A_347 = arith.constant 0 : i32
    %dma_wait3A_348 = arith.constant 0 : i32
    %dma_wait3A_349 = arith.constant 0 : i32
    %dma_wait3A_350 = tpu.memref_slice %arg4[%select_n3A_321, %dma_wait3A_347, %select_n3A_337, %dma_wait3A_348, %dma_wait3A_349] : memref<200x8x32x8x128xf32, #tpu.memory_space<hbm>> -> memref<1x8x1x8x128xf32, #tpu.memory_space<hbm>>
    %dma_wait3A_351 = tpu.memref_squeeze %dma_wait3A_350 : memref<1x8x1x8x128xf32, #tpu.memory_space<hbm>> -> memref<8x8x128xf32, #tpu.memory_space<hbm>>
    %dma_wait3A_352 = arith.constant 0 : i32
    %dma_wait3A_353 = arith.constant 0 : i32
    %dma_wait3A_354 = arith.constant 0 : i32
    %dma_wait3A_355 = tpu.memref_slice %arg12[%dma_wait3A_352, %dma_wait3A_353, %dma_wait3A_354] : memref<8x8x129xf32, #tpu.memory_space<vmem>> -> memref<8x8x128xf32, #tpu.memory_space<vmem>>
    tpu.wait_dma2 semaphore(%arg20 : memref<!tpu.dma_semaphore, #tpu.memory_space<semaphore_mem>>) src(%dma_wait3A_355 : memref<8x8x128xf32, #tpu.memory_space<vmem>>) dst(%dma_wait3A_351 : memref<8x8x128xf32, #tpu.memory_space<hbm>>)
    %add3A_356 = arith.constant 199 : i32
    %add3A_357 = arith.addi %mul3A_2, %add3A_356 : i32
    %jit3A_358 = arith.constant 32 : i32
    %div3A_359 = arith.divsi %add3A_357, %jit3A_358 : i32
    %sign3A_360 = arith.constant 0 : i32
    %sign3A_361 = arith.cmpi sgt, %add3A_357, %sign3A_360 : i32
    %sign3A_362 = arith.extui %sign3A_361 : i1 to i32
    %sign3A_363 = arith.constant 0 : i32
    %sign3A_364 = arith.cmpi slt, %add3A_357, %sign3A_363 : i32
    %sign3A_365 = arith.extui %sign3A_364 : i1 to i32
    %sign3A_366 = arith.subi %sign3A_362, %sign3A_365 : i32
    %sign3A_367 = arith.constant 0 : i32
    %sign3A_368 = arith.cmpi sgt, %jit3A_358, %sign3A_367 : i32
    %sign3A_369 = arith.extui %sign3A_368 : i1 to i32
    %sign3A_370 = arith.constant 0 : i32
    %sign3A_371 = arith.cmpi slt, %jit3A_358, %sign3A_370 : i32
    %sign3A_372 = arith.extui %sign3A_371 : i1 to i32
    %sign3A_373 = arith.subi %sign3A_369, %sign3A_372 : i32
    %ne3A_374 = arith.cmpi ne, %sign3A_366, %sign3A_373 : i32
    %rem3A_375 = arith.remsi %add3A_357, %jit3A_358 : i32
    %ne3A_376 = arith.constant 0 : i32
    %ne3A_377 = arith.cmpi ne, %rem3A_375, %ne3A_376 : i32
    %and3A_378 = arith.andi %ne3A_374, %ne3A_377 : i1
    %sub3A_379 = arith.constant 1 : i32
    %sub3A_380 = arith.subi %div3A_359, %sub3A_379 : i32
    %select_n3A_381 = arith.select %and3A_378, %sub3A_380, %div3A_359 : i32
    %jit3A_382 = arith.constant 32 : i32
    %eq3A_383 = arith.constant 0 : i32
    %eq3A_384 = arith.cmpi eq, %jit3A_382, %eq3A_383 : i32
    %jit3A_385 = arith.constant 1 : i32
    %select_n3A_386 = arith.select %eq3A_384, %jit3A_385, %jit3A_382 : i32
    %rem3A_387 = arith.remsi %add3A_357, %select_n3A_386 : i32
    %ne3A_388 = arith.constant 0 : i32
    %ne3A_389 = arith.cmpi ne, %rem3A_387, %ne3A_388 : i32
    %lt3A_390 = arith.constant 0 : i32
    %lt3A_391 = arith.cmpi slt, %rem3A_387, %lt3A_390 : i32
    %lt3A_392 = arith.constant 0 : i32
    %lt3A_393 = arith.cmpi slt, %select_n3A_386, %lt3A_392 : i32
    %ne3A_394 = arith.xori %lt3A_391, %lt3A_393 : i1
    %and3A_395 = arith.andi %ne3A_394, %ne3A_389 : i1
    %add3A_396 = arith.addi %rem3A_387, %select_n3A_386 : i32
    %select_n3A_397 = arith.select %and3A_395, %add3A_396, %rem3A_387 : i32
    %dma_wait3A_398 = arith.constant 0 : i32
    %dma_wait3A_399 = arith.constant 0 : i32
    %dma_wait3A_400 = arith.constant 0 : i32
    %dma_wait3A_401 = tpu.memref_slice %arg13[%dma_wait3A_398, %dma_wait3A_399, %dma_wait3A_400] : memref<8x8x129xf32, #tpu.memory_space<vmem>> -> memref<8x8x128xf32, #tpu.memory_space<vmem>>
    %dma_wait3A_402 = arith.constant 0 : i32
    %dma_wait3A_403 = arith.constant 0 : i32
    %dma_wait3A_404 = arith.constant 0 : i32
    %dma_wait3A_405 = tpu.memref_slice %arg4[%select_n3A_381, %dma_wait3A_402, %select_n3A_397, %dma_wait3A_403, %dma_wait3A_404] : memref<200x8x32x8x128xf32, #tpu.memory_space<hbm>> -> memref<1x8x1x8x128xf32, #tpu.memory_space<hbm>>
    %dma_wait3A_406 = tpu.memref_squeeze %dma_wait3A_405 : memref<1x8x1x8x128xf32, #tpu.memory_space<hbm>> -> memref<8x8x128xf32, #tpu.memory_space<hbm>>
    %dma_wait3A_407 = arith.constant 0 : i32
    %dma_wait3A_408 = arith.constant 0 : i32
    %dma_wait3A_409 = arith.constant 0 : i32
    %dma_wait3A_410 = tpu.memref_slice %arg4[%select_n3A_381, %dma_wait3A_407, %select_n3A_397, %dma_wait3A_408, %dma_wait3A_409] : memref<200x8x32x8x128xf32, #tpu.memory_space<hbm>> -> memref<1x8x1x8x128xf32, #tpu.memory_space<hbm>>
    %dma_wait3A_411 = tpu.memref_squeeze %dma_wait3A_410 : memref<1x8x1x8x128xf32, #tpu.memory_space<hbm>> -> memref<8x8x128xf32, #tpu.memory_space<hbm>>
    %dma_wait3A_412 = arith.constant 0 : i32
    %dma_wait3A_413 = arith.constant 0 : i32
    %dma_wait3A_414 = arith.constant 0 : i32
    %dma_wait3A_415 = tpu.memref_slice %arg13[%dma_wait3A_412, %dma_wait3A_413, %dma_wait3A_414] : memref<8x8x129xf32, #tpu.memory_space<vmem>> -> memref<8x8x128xf32, #tpu.memory_space<vmem>>
    tpu.wait_dma2 semaphore(%arg21 : memref<!tpu.dma_semaphore, #tpu.memory_space<semaphore_mem>>) src(%dma_wait3A_415 : memref<8x8x128xf32, #tpu.memory_space<vmem>>) dst(%dma_wait3A_411 : memref<8x8x128xf32, #tpu.memory_space<hbm>>)
    return
  }
}

</mosaic_0001>

<sc_bundles>
// kernel: kernel.3.cloned.1.call-start
scs
__scs_entry_jumppad:
0x0: {  	(pc) =	sbr.rel $0x88, $3  }
0x1: {  	(tag) =	ssettag $0x0;
	lr =	simm.s32 $0x1  }
0x2: {  	[smem:$0x3F9F] =	sst lr;
	_ =	strace $0xD0000000  }
0x3: {  	_ = 	snop  }
0x4: {  	_ = 	snop  }
0x5: {  	_ = 	snop  }
0x6: {  	_ = 	snop  }
0x7: {  	_ = 	snop  }
__scs_overlays_trampoline_lowered:
0x8: {  	[smem:$0x3FAE] =	sst s0  }
0x9: {  	[smem:$0x3FAF] =	sst s1  }
0xa: {  	[smem:$0x3FB0] =	sst s2  }
0xb: {  	[smem:$0x3FB1] =	sst s3  }
0xc: {  	[smem:$0x3FB2] =	sst s4  }
0xd: {  	[smem:$0x3FB3] =	sst s5  }
0xe: {  	[smem:$0x3FB4] =	sst s6  }
0xf: {  	[smem:$0x3FB5] =	sst s7  }
0x10: {  	[smem:$0x3FB6] =	sst s8  }
0x11: {  	[smem:$0x3FB7] =	sst s9;
	s0 =	simm.s32 @!p0 $0x0  }
0x12: {  	s1 =	sld [smem:$0x3F9D];
	s0 =	simm.s32 @p0 $0x1  }
0x13: {  	[smem:$0x3FB8] =	sst s0;
	s0 =	simm.s32 @!p1 $0x0  }
0x14: {  	s2 =	sld [smem:$0x3F9C];
	s0 =	simm.s32 @p1 $0x1  }
0x15: {  	[smem:$0x3FB9] =	sst s0;
	s0 =	simm.s32 @!p2 $0x0  }
0x16: {  	s3 =	sld [smem:$0x3FDB];
	s0 =	simm.s32 @p2 $0x1  }
0x17: {  	s4 =	simm.s32 $0x1BF5;
	[smem:$0x3FBB] =	sst s0  }
0x18: {  	s0 =	sld [smem:$0x3F9E];
	_ =	swait.ge [sflag:s4], $0x0  }
0x19: {  	s7 =	sld [smem:$0x3F9F]  }
0x1a: {  	s8 =	sadd.s32 $0xFFFFE003, lr  }
0x1b: {  	s9 =	sadd.s32 $0xFFFFFEF7, lr;
	s5 =	simm.s32 $0xFFFFFFFF;
	p2 =	slt.u32 s8, $0xFFFFF086  }
0x1c: {  	p1 =	slt.u32 s9, $0xF7A;
	s5 =	simm.s32 @!p2 $0x0  }
0x1d: {  	s5 =	simm.s32 @p1 $0x1;
	p0 =	seq.s32 s7, s2  }
0x1e: {  	s7 =	smul.u32 @!p0 $0xF7A, s2;
	p2 =	seq.s32 @!p0 s5, $0x0  }
0x1f: {  	s9 =	smul.u32 $0xF7A, s1;
	s8 =	simm.s32 @!p0 $0x1BF5;
	p2 =	por !p2, p0  }
0x20: {  	[sflag:s8] =	ssyncset.s32 @!p0 $0xFFFFF086;
	s6 =	sadd.s32 @!p0 s3, s7;
	s7 =	simm.s32 @!p0 $0x108  }
0x21: {  	s3 =	sadd.s32 s3, s9;
	s6 =	sadd.s32 @!p0 $0x88, s6;
	s7 =	simm.s32 @p2 $0x1082  }
0x22: {  	[simem:s7], [sflag:s8] =	dma.local @!p0 [hbm:s6], $0xF7A  }
0x23: {  	s9 =	sor.u32 $0xD0000000, s2;
	s6 =	simm.s32 $0x108;
	_ =	swait.ge @!p0 [sflag:s8], $0x0  }
0x24: {  	s3 =	sadd.s32 $0x88, s3;
	s6 =	simm.s32 @!p1 $0x1082;
	[sflag:s4] =	ssyncset.s32 $0xFFFFF086  }
0x25: {  	[simem:s6], [sflag:s4] =	dma.local [hbm:s3], $0xF7A  }
0x26: {  	[smem:$0x3F9F] =	sst s1;
	(tag) =	ssettag s2;
	_ =	strace s9  }
0x27: {  	s1 =	sld [smem:$0x3FAF]  }
0x28: {  	s2 =	sld [smem:$0x3FB0]  }
0x29: {  	s4 =	sld [smem:$0x3FB2]  }
0x2a: {  	p0 =	seq.s32 s5, $0x0;
	s5 =	sld [smem:$0x3FB3]  }
0x2b: {  	s6 =	sld [smem:$0x3FB4]  }
0x2c: {  	s7 =	sld [smem:$0x3FB5]  }
0x2d: {  	s3 =	simm.s32 $0x108;
	s8 =	sld [smem:$0x3FB6]  }
0x2e: {  	s3 =	simm.s32 @!p0 $0x1082;
	s9 =	sld [smem:$0x3FB7]  }
0x2f: {  	lr =	sadd.s32 s0, s3;
	s0 =	sld [smem:$0x3FAE]  }
0x30: {  	s3 =	sld [smem:$0x3FB1]  }
0x31: {  	[smem:$0x3FBA] =	sst s10  }
0x32: {  	s10 =	sld [smem:$0x3FB8];
	_ =	sdelay $0x3  }
0x33: {  	p0 =	seq.s32 s10, $0x1;
	s10 =	sld [smem:$0x3FBA];
	_ =	sdelay $0x3  }
0x34: {  	[smem:$0x3FBA] =	sst s10  }
0x35: {  	s10 =	sld [smem:$0x3FB9];
	_ =	sdelay $0x3  }
0x36: {  	p1 =	seq.s32 s10, $0x1;
	s10 =	sld [smem:$0x3FBA];
	_ =	sdelay $0x3  }
0x37: {  	[smem:$0x3FBA] =	sst s10  }
0x38: {  	s10 =	sld [smem:$0x3FBB]  }
0x39: {  	_ = 	snop;
	(pc) =	sbr.ind lr, $3  }
0x3a: {  	_ = 	snop  }
0x3b: {  	_ = 	snop  }
0x3c: {  	p2 =	seq.s32 s10, $0x1;
	s10 =	sld [smem:$0x3FBA]  }
0x3d: {  	_ =	shalt  }
0x3e: {  	_ =	shalt  }
0x3f: {  	_ =	shalt  }
0x40: {  	_ =	shalt  }
0x41: {  	_ =	shalt  }
0x42: {  	_ =	shalt  }
0x43: {  	_ =	shalt  }
0x44: {  	_ =	shalt  }
0x45: {  	_ =	shalt  }
0x46: {  	_ =	shalt  }
0x47: {  	_ =	shalt  }
0x48: {  	_ =	shalt  }
0x49: {  	_ =	shalt  }
0x4a: {  	_ =	shalt  }
0x4b: {  	_ =	shalt  }
0x4c: {  	_ =	shalt  }
0x4d: {  	_ =	shalt  }
0x4e: {  	_ =	shalt  }
0x4f: {  	_ =	shalt  }
0x50: {  	_ =	shalt  }
0x51: {  	_ =	shalt  }
0x52: {  	_ =	shalt  }
0x53: {  	_ =	shalt  }
0x54: {  	_ =	shalt  }
0x55: {  	_ =	shalt  }
0x56: {  	_ =	shalt  }
0x57: {  	_ =	shalt  }
0x58: {  	_ =	shalt  }
0x59: {  	_ =	shalt  }
0x5a: {  	_ =	shalt  }
0x5b: {  	_ =	shalt  }
0x5c: {  	_ =	shalt  }
0x5d: {  	_ =	shalt  }
0x5e: {  	_ =	shalt  }
0x5f: {  	_ =	shalt  }
0x60: {  	_ =	shalt  }
0x61: {  	_ =	shalt  }
0x62: {  	_ =	shalt  }
0x63: {  	_ =	shalt  }
0x64: {  	_ =	shalt  }
0x65: {  	_ =	shalt  }
0x66: {  	_ =	shalt  }
0x67: {  	_ =	shalt  }
0x68: {  	_ =	shalt  }
0x69: {  	_ =	shalt  }
0x6a: {  	_ =	shalt  }
0x6b: {  	_ =	shalt  }
0x6c: {  	_ =	shalt  }
0x6d: {  	_ =	shalt  }
0x6e: {  	_ =	shalt  }
0x6f: {  	_ =	shalt  }
0x70: {  	_ =	shalt  }
0x71: {  	_ =	shalt  }
0x72: {  	_ =	shalt  }
0x73: {  	_ =	shalt  }
0x74: {  	_ =	shalt  }
0x75: {  	_ =	shalt  }
0x76: {  	_ =	shalt  }
0x77: {  	_ =	shalt  }
0x78: {  	_ =	shalt  }
0x79: {  	_ =	shalt  }
0x7a: {  	_ =	shalt  }
0x7b: {  	_ =	shalt  }
0x7c: {  	_ =	shalt  }
0x7d: {  	_ =	shalt  }
0x7e: {  	_ =	shalt  }
0x7f: {  	_ =	shalt  }
0x80: {  	_ =	shalt  }
0x81: {  	_ =	shalt  }
0x82: {  	_ =	shalt  }
0x83: {  	_ =	shalt  }
0x84: {  	_ =	shalt  }
0x85: {  	_ =	shalt  }
0x86: {  	_ =	shalt  }
0x87: {  	_ =	shalt  }
.Lfunc_end0:
.L_simem_size_0:
called_computation_lowered:
.L_overlay_start_0:
0x88: {  	s2 =	sld [smem:$0x3FD9]  }
0x89: {  	s3 =	sld [smem:$0x3FFE];
	_ =	sdelay $0x1  }
0x8a: {  	s1 =	srdreg.scid  }
0x8b: {  	s0 =	sand.u32 $0x1, s1  }
0x8c: {  	s17 =	sshll.u32 s0, $0xA;
	s2 =	sadd.s32 s3, s2  }
0x8d: {  	s2 =	sadd.s32 s2, s17  }
0x8e: {  	[smem:$0x3FC6] =	sst s2  }
0x8f: {  	_ = 	snop  }
0x90: {  	s2 =	sld [smem:$0x3FD0];
	(tm) =	ssettm $0x1  }
0x91: {  	s18 =	sld [smem:$0x3FFB];
	_ =	sdelay $0x3  }
0x92: {  	_ =	strace s18  }
0x93: {  	s3 =	sld [smem:$0x3FFC];
	_ =	sdelay $0x3  }
0x94: {  	_ =	strace s3  }
0x95: {  	s3 =	sld [smem:$0x3FFD];
	_ =	sdelay $0x3  }
0x96: {  	_ =	strace s3  }
0x97: {  	_ =	strace $0x8FFFFFFF  }
0x98: {  	s19 =	sld [smem:$0x3FDB];
	_ =	sdelay $0x1  }
0x99: {  	s4 =	simm.s32 $_scs_section_size  }
0x9a: {  	s5 =	simm.s32 $_size__tile_overlayer_lowered;
	s6 =	simm.s32 $_tile_overlayer_lowered  }
0x9b: {  	s22 =	simm.s32 $0x1BFF;
	s21 =	sshll.u32 s6, $0x1;
	s3 =	sadd.s32 s4, s19  }
0x9c: {  	s7 =	simm.s32 $0x0;
	s20 =	sshll.u32 s5, $0x1;
	s5 =	sadd.s32 s21, s3  }
0x9d: {  	[timem:s7], [sflag:s22] =	dma.local [hbm:s5], s20  }
0x9e: {  	_ =	swait.ge [sflag:s22], s20  }
0x9f: {  	s4 =	ssub.s32 $0x0, s20;
	[sflag:s22] =	ssyncset.done $0x0  }
0xa0: {  	[sflag:s22] =	ssyncadd.s32 s4;
	_ =	sdelay $0x1  }
0xa1: {  	s23 =	simm.s32 $0x1B8B  }
0xa2: {  	_ =	swait.ge [sflag:s23], $0x1  }
0xa3: {  	[sflag:s23] =	ssyncset.done $0x0  }
0xa4: {  	s25 =	simm.s32 $0x1B8E;
	s24 =	sld [smem:$0x3FFE];
	[sflag:s23] =	ssyncadd.s32 $0xFFFFFFFF  }
0xa5: {  	s26 =	simm.s32 $execute0_lowered;
	[smem:$0x3FD2] =	sst s25  }
0xa6: {  	s5 =	sshll.u32 s26, $0x1;
	_ =	strace $0x80000046;
	[dreg:$0x1] =	wrdreg $0xFFFFFFFF  }
0xa7: {  	s28 =	simm.s32 $_size_execute0_lowered;
	s3 =	sadd.s32 s3, s5;
	[dreg:$0x0] =	wrdreg $0x0  }
0xa8: {  	s5 =	sshll.u32 s28, $0x1;
	[dreg:$0x2] =	wrdreg s3  }
0xa9: {  	[dreg:$0x3] =	wrdreg s5  }
0xaa: {  	[dreg:$0x4] =	wrdreg $0xC0  }
0xab: {  	_ =	task [dreg:s7], $0x5FFFF  }
0xac: {  	[dreg:$0x1] =	wrdreg $0xFFFFFFFF  }
0xad: {  	[dreg:$0x0] =	wrdreg $0x60  }
0xae: {  	[dreg:$0x2] =	wrdreg s24  }
0xaf: {  	[dreg:$0x3] =	wrdreg s2  }
0xb0: {  	[dreg:$0x4] =	wrdreg $0x9  }
0xb1: {  	_ =	task.clear_ibuf [dreg:s7], $0x5FFFF;
	_ =	strace $0x90000046  }
0xb2: {  	s29 =	simm.s32 $0x9;
	_ =	strace $0x80000048  }
0xb3: {  	_ =	swait.ge [sflag:s29], $0x1  }
0xb4: {  	[sflag:s29] =	ssyncadd.s32 $0xFFFFFFFF  }
0xb5: {  	_ =	strace $0x90000048  }
0xb6: {  	_ =	sfence  }
0xb7: {  	s30 =	sld [smem:$0x0];
	_ =	sdelay $0x2  }
0xb8: {  	s31 =	sshll.u32 s1, $0xD;
	s1 =	sshrl.u32 s1, $0x2  }
0xb9: {  	s3 =	sand.u32 $0x4000, s31;
	s1 =	sadd.s32 s1, s30  }
0xba: {  	s0 =	sor.u32 s3, s0;
	s1 =	sshll.u32 s1, $0x11  }
0xbb: {  	s0 =	sor.u32 s1, s0  }
0xbc: {  	s0 =	sadd.s32 $0x8F2B, s0  }
0xbd: {  	[sflag:s0] =	ssyncadd.remote.s32 $0x1  }
0xbe: {  	_ =	sfence.sel $0xFFFF  }
0xbf: {  	[dreg:$0x0] =	wrdreg $0xFFFFFFFF;
	(pc) =	sbr.abs _section_cstart, $3  }
0xc0: {  	[dreg:$0x1] =	wrdreg $0xFFFFFFFF  }
0xc1: {  	_ =	task.clear_ibuf [dreg:s7], $0x2FFFF;
	_ =	strace $0x9FFFFFFF  }
0xc2: {  	(tm) =	ssettm $0x7FFFFFFF  }
0xc3: {  	_ =	shalt  }
tec
execute0_lowered:
.L_overlay_start_1:
0x0: {  	(tag) =	ssettag $0x1  }
0x1: {  	s0 =	rddreg [dreg:$0x0]  }
0x2: {  	s1 =	srdreg.scid;
	s3 =	stileid.u32  }
0x3: {  	s2 =	rddreg [dreg:$0x1];
	s8 =	simm.s32 $0x9;
	s9 =	simm.s32 $0x80  }
0x4: {  	s15 =	simm.s32 $0xC400;
	s16 =	simm.s32 $0x1;
	s17 =	simm.s32 $0xE400  }
0x5: {  	s18 =	simm.s32 $0x2;
	s19 =	simm.s32 $0x10600;
	s20 =	simm.s32 $0x3  }
0x6: {  	s21 =	simm.s32 $0x12800;
	s22 =	simm.s32 $0x4;
	s23 =	simm.s32 $0x14A00  }
0x7: {  	s24 =	simm.s32 $0x5;
	s25 =	simm.s32 $0x6;
	s26 =	simm.s32 $0x7  }
0x8: {  	s28 =	simm.s32 $0x8;
	s1 =	sand.u32 $0x1, s1;
	s4 =	sshll.u32 s3, $0x1  }
.Ltmp0:
0x9: {  	s3 =	simm.s32 $0x0;
	s5 =	sor.u32 s1, s4;
	(pc) =	sbr.rel .LBB2_1-.Ltmp0, $4  }
0xa: {  	v0 =	vlaneseq.u32;
	[smem:$0x7FF] =	sst s3;
	s1 =	ssub.s32 $0x2, s1;
	s4 =	smul.u32 $0xC80, s5  }
0xb: {  	s29 =	simm.s32 $0x0;
	v0 =	vmul.u32 $0x88, v0;
	_ =	strace $0x80000047;
	s6 =	sshrl.u32 s1, $0x1  }
0xc: {  	s5 =	smul.u32 $0xC8, s5;
	s31 =	ssub.s32 s1, s6;
	s7 =	sadd.s32 s4, s0  }
0xd: {  	v1 =	vadd.s32 $0x880, v0;
	v2 =	vadd.s32 $0x1100, v0;
	v3 =	vadd.s32 $0x1980, v0;
	s4 =	sadd.s32 $0xF42A00, s0;
	s6 =	sadd.s32 $0x600, s7;
	s7 =	smax.u32 s31, $0x1  }
.LBB2_20:
0xe: {  	_ =	swait.ge [sflag:s24], $0x2000  }
0xf: {  	[sflag:s24] =	ssyncset.done $0x0  }
0x10: {  	[sflag:s24] =	ssyncadd.s32 $0xFFFFE000  }
0x11: {  	_ =	swait.ge [sflag:s25], $0x2000  }
0x12: {  	[sflag:s25] =	ssyncset.done $0x0  }
0x13: {  	s29 =	sadd.s32 $0x1, s29;
	[sflag:s25] =	ssyncadd.s32 $0xFFFFE000  }
0x14: {  	p0 =	sne.s32 s29, s7;
	_ =	swait.ge [sflag:s26], $0x2000  }
.Ltmp1:
0x15: {  	[sflag:s26] =	ssyncset.done $0x0;
	(pc) =	sbr.rel @!p0 .LBB2_21-.Ltmp1, $4  }
0x16: {  	[sflag:s26] =	ssyncadd.s32 $0xFFFFE000  }
0x17: {  	_ =	swait.ge [sflag:s28], $0x2000  }
0x18: {  	[sflag:s28] =	ssyncset.done $0x0  }
0x19: {  	[sflag:s28] =	ssyncadd.s32 $0xFFFFE000  }
.LBB2_1:
0x1a: {  	[tilespmem:s3], [sflag:$0x9] =	stream.linear.gather [hbm4b:s6+s3], $0x6400, $0x38;
	[tilespmem:$0x16C00] =	vst v63  }
0x1b: {  	_ =	swait.ge [sflag:s8], $0x6400  }
0x1c: {  	[sflag:s8] =	ssyncset.done $0x0  }
0x1d: {  	s0 =	simm.s32 $0x6400;
	[sflag:s8] =	ssyncadd.s32 $0xFFFF9C00  }
0x1e: {  	[tilespmem:s0], [sflag:$0x1] =	stream.indirect.gather [hbm4b:s4+s9], $0x40, s3, s9, $0xb8;
	[tilespmem:$0x16C00] =	vst v63  }
0x1f: {  	s13 =	simm.s32 $0x8400  }
0x20: {  	[tilespmem:s13], [sflag:$0x2] =	stream.indirect.gather [hbm4b:s4+s9], $0x40, s9, s9, $0xb8;
	[tilespmem:$0x16C00] =	vst v63  }
0x21: {  	s14 =	simm.s32 $0x100;
	s1 =	simm.s32 $0xA400  }
0x22: {  	[tilespmem:s1], [sflag:$0x3] =	stream.indirect.gather [hbm4b:s4+s9], $0x40, s14, s9, $0xb8;
	[tilespmem:$0x16C00] =	vst v63  }
0x23: {  	s31 =	simm.s32 $0x180;
	s30 =	simm.s32 $0x0  }
0x24: {  	[tilespmem:s15], [sflag:$0x4] =	stream.indirect.gather [hbm4b:s4+s9], $0x40, s31, s9, $0xb8;
	[tilespmem:$0x16C00] =	vst v63  }
.LBB2_2:
0x25: {  	_ =	swait.ge [sflag:s16], $0x2000  }
0x26: {  	p0 =	seq.s32 s30, $0x0;
	[sflag:s16] =	ssyncset.done $0x0  }
0x27: {  	s0 =	simm.s32 @!p0 $0x5;
	[sflag:s16] =	ssyncadd.s32 $0xFFFFE000  }
0x28: {  	_ =	swait.ge @!p0 [sflag:s0], $0x2000  }
0x29: {  	[sflag:s0] =	ssyncset.done @!p0 $0x0  }
0x2a: {  	s1 =	simm.s32 $0x6480;
	[sflag:s0] =	ssyncadd.s32 @!p0 $0xFFFFE000  }
0x2b: {  	v4 =	vld [tilespmem:s1+$0x70]  }
0x2c: {  	v6 =	vld [tilespmem:s1+$0x60]  }
0x2d: {  	v5 =	vld [tilespmem:s1+$0x50]  }
0x2e: {  	v7 =	vld [tilespmem:s1+$0x40]  }
0x2f: {  	v8 =	vld [tilespmem:s1+$0x30]  }
0x30: {  	v9 =	vld [tilespmem:s1+$0x20]  }
0x31: {  	v10 =	vld [tilespmem:s1+$0x10]  }
0x32: {  	s11 =	simm.s32 $0x0;
	v11 =	vld [tilespmem:s1+$0x0]  }
0x33: {  	v13 =	vmov s11;
	v12 =	vld [tilespmem:s1+$0xFFFFFFF0]  }
0x34: {  	v13 =	vand.u32 $0x7C, v13;
	v14 =	vld [tilespmem:s1+$0xFFFFFFE0]  }
0x35: {  	v17 =	vadd.s32 v0, v13;
	v16 =	vld [tilespmem:s1+$0xFFFFFF80]  }
0x36: {  	s12 =	simm.s32 $0x1;
	v19 =	vadd.s32 v1, v13;
	v18 =	vld [tilespmem:s1+$0xFFFFFF90]  }
0x37: {  	v20 =	vmov s12;
	v22 =	vadd.s32 v2, v13;
	v21 =	vld [tilespmem:s1+$0xFFFFFFA0]  }
0x38: {  	v20 =	vand.u32 $0x7D, v20;
	v13 =	vadd.s32 v3, v13;
	v23 =	vld [tilespmem:s1+$0xFFFFFFB0]  }
0x39: {  	v25 =	vadd.s32 v0, v20;
	v24 =	vld [tilespmem:s1+$0xFFFFFFC0]  }
0x3a: {  	s13 =	simm.s32 $0x2;
	v51 =	vadd.s32 v1, v20;
	v15 =	vld [tilespmem:s1+$0xFFFFFFD0];
	[tilespmem:v17+s17+$0x0] =	vst.idx.msk $0xffff, v16  }
0x3b: {  	v52 =	vmov s13;
	v53 =	vadd.s32 v2, v20;
	[tilespmem:v19+s17+$0x0] =	vst.idx.msk $0xffff, v18  }
0x3c: {  	v54 =	vadd.s32 v3, v20;
	v17 =	vand.u32 $0x7E, v52;
	[tilespmem:v22+s17+$0x0] =	vst.idx.msk $0xffff, v21  }
0x3d: {  	v55 =	vadd.s32 v0, v17;
	[tilespmem:v13+s17+$0x0] =	vst.idx.msk $0xffff, v23  }
0x3e: {  	s14 =	simm.s32 $0x3;
	v56 =	vadd.s32 v1, v17;
	[tilespmem:v25+s17+$0x0] =	vst.idx.msk $0xffff, v24  }
0x3f: {  	v57 =	vmov s14;
	v58 =	vadd.s32 v2, v17;
	[tilespmem:v51+s17+$0x0] =	vst.idx.msk $0xffff, v15  }
0x40: {  	v60 =	vand.u32 $0x7F, v57;
	v59 =	vadd.s32 v3, v17;
	[tilespmem:v53+s17+$0x0] =	vst.idx.msk $0xffff, v14  }
0x41: {  	v61 =	vadd.s32 v0, v60;
	[tilespmem:v54+s17+$0x0] =	vst.idx.msk $0xffff, v12  }
0x42: {  	v62 =	vadd.s32 v1, v60;
	[tilespmem:v55+s17+$0x0] =	vst.idx.msk $0xffff, v11  }
0x43: {  	[tilespmem:v56+s17+$0x0] =	vst.idx.msk $0xffff, v10  }
0x44: {  	[tilespmem:v58+s17+$0x0] =	vst.idx.msk $0xffff, v9  }
0x45: {  	v63 =	vadd.s32 v2, v60;
	[tilespmem:v59+s17+$0x0] =	vst.idx.msk $0xffff, v8  }
0x46: {  	[tilespmem:v61+s17+$0x0] =	vst.idx.msk $0xffff, v7  }
0x47: {  	[tilespmem:v62+s17+$0x0] =	vst.idx.msk $0xffff, v5;
	v5 =	vadd.s32 v3, v60;
	_ =	sdelay $0x2  }
0x48: {  	s31 =	sshll.u32 s30, $0x2;
	s0 =	simm.s32 $0x4;
	[tilespmem:v63+s17+$0x0] =	vst.idx.msk $0xffff, v6  }
.LBB2_3:
0x49: {  	p1 =	sne.s32 s0, $0x7C  }
0x4a: {  	[tilespmem:v5+s17+$0x0] =	vst.idx.msk $0xffff, v4;
	s1 =	sadd.s32 $0x100, s1;
	s10 =	smov.u32 s0;
	s0 =	sadd.s32 $0x4, s0  }
0x4b: {  	v4 =	vld [tilespmem:s1+$0x70]  }
0x4c: {  	v6 =	vld [tilespmem:s1+$0x60]  }
0x4d: {  	v7 =	vld [tilespmem:s1+$0x50]  }
0x4e: {  	v8 =	vld [tilespmem:s1+$0x40]  }
0x4f: {  	v9 =	vld [tilespmem:s1+$0x30]  }
0x50: {  	v5 =	vld [tilespmem:s1+$0x20]  }
0x51: {  	v10 =	vld [tilespmem:s1+$0x10]  }
0x52: {  	v11 =	vld [tilespmem:s1+$0x0]  }
0x53: {  	v12 =	vld [tilespmem:s1+$0xFFFFFFF0]  }
0x54: {  	v13 =	vmov s10;
	v14 =	vld [tilespmem:s1+$0xFFFFFFE0]  }
0x55: {  	v13 =	vand.u32 $0x7C, v13;
	v15 =	vld [tilespmem:s1+$0xFFFFFFD0]  }
0x56: {  	v17 =	vadd.s32 v0, v13;
	v16 =	vld [tilespmem:s1+$0xFFFFFF80]  }
0x57: {  	s11 =	sadd.s32 $0x1, s10;
	v19 =	vadd.s32 v1, v13;
	v18 =	vld [tilespmem:s1+$0xFFFFFF90]  }
0x58: {  	v20 =	vmov s11;
	v22 =	vadd.s32 v2, v13;
	v21 =	vld [tilespmem:s1+$0xFFFFFFA0]  }
0x59: {  	v13 =	vadd.s32 v3, v13;
	v20 =	vand.u32 $0x7D, v20;
	v23 =	vld [tilespmem:s1+$0xFFFFFFB0]  }
0x5a: {  	v25 =	vadd.s32 v0, v20;
	v24 =	vld [tilespmem:s1+$0xFFFFFFC0]  }
0x5b: {  	s11 =	sadd.s32 $0x2, s10;
	[tilespmem:v17+s17+$0x0] =	vst.idx.msk $0xffff, v16;
	v16 =	vadd.s32 v1, v20  }
0x5c: {  	v17 =	vmov s11;
	[tilespmem:v19+s17+$0x0] =	vst.idx.msk $0xffff, v18;
	v18 =	vadd.s32 v2, v20  }
0x5d: {  	v19 =	vadd.s32 v3, v20;
	v17 =	vand.u32 $0x7E, v17;
	[tilespmem:v22+s17+$0x0] =	vst.idx.msk $0xffff, v21  }
0x5e: {  	[tilespmem:v13+s17+$0x0] =	vst.idx.msk $0xffff, v23;
	v13 =	vadd.s32 v0, v17  }
0x5f: {  	s10 =	sadd.s32 $0x3, s10;
	v20 =	vadd.s32 v1, v17;
	[tilespmem:v25+s17+$0x0] =	vst.idx.msk $0xffff, v24  }
0x60: {  	v21 =	vmov s10;
	[tilespmem:v16+s17+$0x0] =	vst.idx.msk $0xffff, v15;
	v15 =	vadd.s32 v2, v17  }
0x61: {  	v16 =	vand.u32 $0x7F, v21;
	[tilespmem:v18+s17+$0x0] =	vst.idx.msk $0xffff, v14;
	v14 =	vadd.s32 v3, v17  }
0x62: {  	[tilespmem:v19+s17+$0x0] =	vst.idx.msk $0xffff, v12;
	v12 =	vadd.s32 v0, v16  }
0x63: {  	[tilespmem:v13+s17+$0x0] =	vst.idx.msk $0xffff, v11;
	v11 =	vadd.s32 v1, v16  }
0x64: {  	[tilespmem:v20+s17+$0x0] =	vst.idx.msk $0xffff, v10;
	v10 =	vadd.s32 v2, v16  }
.Ltmp2:
0x65: {  	[tilespmem:v15+s17+$0x0] =	vst.idx.msk $0xffff, v5;
	v5 =	vadd.s32 v3, v16;
	(pc) =	sbr.rel @p1 .LBB2_3-.Ltmp2, $4  }
0x66: {  	[tilespmem:v14+s17+$0x0] =	vst.idx.msk $0xffff, v9  }
0x67: {  	[tilespmem:v12+s17+$0x0] =	vst.idx.msk $0xffff, v8  }
0x68: {  	[tilespmem:v11+s17+$0x0] =	vst.idx.msk $0xffff, v7  }
0x69: {  	[tilespmem:v10+s17+$0x0] =	vst.idx.msk $0xffff, v6  }
0x6a: {  	s0 =	sadd.s32 s5, s31  }
0x6b: {  	s1 =	sshll.u32 s0, $0x7  }
0x6c: {  	s0 =	sshll.u32 s0, $0xA;
	s1 =	sand.u32 $0xE00, s1  }
0x6d: {  	s0 =	sand.u32 $0xFFF8000, s0;
	s1 =	sadd.s32 s2, s1  }
0x6e: {  	[tilespmem:v5+s17+$0x0] =	vst.idx.msk $0xffff, v4;
	s11 =	simm.s32 $0xE400;
	s1 =	sadd.s32 s0, s1  }
0x6f: {  	[hbm4b:s1+s3] =	stream.linear.scatter [tilespmem:s11], [sflag:$0x5], $0x80, $0x38;
	[tilespmem:$0x16C00] =	vst v63  }
0x70: {  	s12 =	simm.s32 $0xE488;
	s10 =	sadd.s32 $0x10, s1  }
0x71: {  	[hbm4b:s10+s3] =	stream.linear.scatter [tilespmem:s12], [sflag:$0x5], $0x80, $0x38;
	[tilespmem:$0x16C00] =	vst v63  }
0x72: {  	s13 =	simm.s32 $0xE510;
	s0 =	simm.s32 $0x440;
	s14 =	sadd.s32 $0x20, s1  }
0x73: {  	[hbm4b:s14+s3] =	stream.linear.scatter [tilespmem:s13], [sflag:$0x5], $0x80, $0x38;
	[tilespmem:$0x16C00] =	vst v63  }
0x74: {  	s11 =	simm.s32 $0xE598;
	s12 =	sadd.s32 $0x30, s1;
	s10 =	simm.s32 $0x2200  }
0x75: {  	[hbm4b:s12+s3] =	stream.linear.scatter [tilespmem:s11], [sflag:$0x5], $0x80, $0x38;
	[tilespmem:$0x16C00] =	vst v63  }
0x76: {  	s13 =	simm.s32 $0xE620;
	s14 =	sadd.s32 $0x40, s1;
	s11 =	simm.s32 $0xE6A8  }
0x77: {  	[hbm4b:s14+s3] =	stream.linear.scatter [tilespmem:s13], [sflag:$0x5], $0x80, $0x38;
	[tilespmem:$0x16C00] =	vst v63  }
0x78: {  	s12 =	sadd.s32 $0x50, s1;
	s13 =	simm.s32 $0xE730;
	s14 =	sadd.s32 $0x60, s1  }
0x79: {  	[hbm4b:s12+s3] =	stream.linear.scatter [tilespmem:s11], [sflag:$0x5], $0x80, $0x38;
	[tilespmem:$0x16C00] =	vst v63  }
0x7a: {  	s11 =	simm.s32 $0xE7B8;
	s12 =	sadd.s32 $0x70, s1;
	s1 =	sadd.s32 $0x1000, s1  }
0x7b: {  	[hbm4b:s14+s3] =	stream.linear.scatter [tilespmem:s13], [sflag:$0x5], $0x80, $0x38;
	[tilespmem:$0x16C00] =	vst v63  }
.LBB2_5:
0x7c: {  	[hbm4b:s12+s3] =	stream.linear.scatter [tilespmem:s11], [sflag:$0x5], $0x80, $0x38;
	[tilespmem:$0x16C00] =	vst v63  }
0x7d: {  	s11 =	smov.u32 s0;
	s0 =	smov.u32 s10  }
0x7e: {  	s13 =	sadd.s32 $0x1100, s10;
	s0 =	sshra.s32 s0, $0x2;
	s12 =	sadd.s32 $0xE400, s11  }
0x7f: {  	[hbm4b:s1+s3] =	stream.linear.scatter [tilespmem:s12], [sflag:$0x5], $0x80, $0x38;
	[tilespmem:$0x16C00] =	vst v63  }
0x80: {  	p1 =	sne.s32 s10, $0x7700;
	s10 =	sadd.s32 $0xE488, s11;
	s12 =	sadd.s32 $0x10, s1  }
0x81: {  	[hbm4b:s12+s3] =	stream.linear.scatter [tilespmem:s10], [sflag:$0x5], $0x80, $0x38;
	[tilespmem:$0x16C00] =	vst v63  }
0x82: {  	s10 =	sadd.s32 $0xE510, s11;
	s12 =	sadd.s32 $0x20, s1  }
0x83: {  	[hbm4b:s12+s3] =	stream.linear.scatter [tilespmem:s10], [sflag:$0x5], $0x80, $0x38;
	[tilespmem:$0x16C00] =	vst v63  }
0x84: {  	s10 =	sadd.s32 $0xE598, s11;
	s12 =	sadd.s32 $0x30, s1  }
0x85: {  	[hbm4b:s12+s3] =	stream.linear.scatter [tilespmem:s10], [sflag:$0x5], $0x80, $0x38;
	[tilespmem:$0x16C00] =	vst v63  }
0x86: {  	s10 =	sadd.s32 $0xE620, s11;
	s12 =	sadd.s32 $0x40, s1  }
0x87: {  	[hbm4b:s12+s3] =	stream.linear.scatter [tilespmem:s10], [sflag:$0x5], $0x80, $0x38;
	[tilespmem:$0x16C00] =	vst v63  }
.Ltmp3:
0x88: {  	s10 =	sadd.s32 $0xE6A8, s11;
	s12 =	sadd.s32 $0x50, s1;
	(pc) =	sbr.rel @p1 .LBB2_5-.Ltmp3, $4  }
0x89: {  	[hbm4b:s12+s3] =	stream.linear.scatter [tilespmem:s10], [sflag:$0x5], $0x80, $0x38;
	[tilespmem:$0x16C00] =	vst v63  }
0x8a: {  	s10 =	sadd.s32 $0xE730, s11;
	s12 =	sadd.s32 $0x60, s1;
	s11 =	sadd.s32 $0xE7B8, s11  }
0x8b: {  	[hbm4b:s12+s3] =	stream.linear.scatter [tilespmem:s10], [sflag:$0x5], $0x80, $0x38;
	[tilespmem:$0x16C00] =	vst v63  }
0x8c: {  	s12 =	sadd.s32 $0x70, s1;
	s1 =	sadd.s32 $0x1000, s1;
	s10 =	smov.u32 s13  }
0x8d: {  	[hbm4b:s12+s3] =	stream.linear.scatter [tilespmem:s11], [sflag:$0x5], $0x80, $0x38;
	[tilespmem:$0x16C00] =	vst v63  }
0x8e: {  	s10 =	sadd.s32 $0xE400, s0  }
0x8f: {  	[hbm4b:s1+s3] =	stream.linear.scatter [tilespmem:s10], [sflag:$0x5], $0x80, $0x38;
	[tilespmem:$0x16C00] =	vst v63  }
0x90: {  	s13 =	sadd.s32 $0xE488, s0;
	s14 =	sadd.s32 $0x10, s1  }
0x91: {  	[hbm4b:s14+s3] =	stream.linear.scatter [tilespmem:s13], [sflag:$0x5], $0x80, $0x38;
	[tilespmem:$0x16C00] =	vst v63  }
0x92: {  	s11 =	sadd.s32 $0xE510, s0;
	s12 =	sadd.s32 $0x20, s1  }
0x93: {  	[hbm4b:s12+s3] =	stream.linear.scatter [tilespmem:s11], [sflag:$0x5], $0x80, $0x38;
	[tilespmem:$0x16C00] =	vst v63  }
0x94: {  	s13 =	sadd.s32 $0xE598, s0;
	s14 =	sadd.s32 $0x30, s1  }
0x95: {  	[hbm4b:s14+s3] =	stream.linear.scatter [tilespmem:s13], [sflag:$0x5], $0x80, $0x38;
	[tilespmem:$0x16C00] =	vst v63  }
0x96: {  	p1 =	seq.s32 s30, $0x31;
	s11 =	sadd.s32 $0xE620, s0;
	s12 =	sadd.s32 $0x40, s1  }
0x97: {  	[hbm4b:s12+s3] =	stream.linear.scatter [tilespmem:s11], [sflag:$0x5], $0x80, $0x38;
	[tilespmem:$0x16C00] =	vst v63  }
0x98: {  	s13 =	sadd.s32 $0xE6A8, s0;
	s14 =	sadd.s32 $0x50, s1;
	s12 =	sadd.s32 $0xE730, s0  }
0x99: {  	[hbm4b:s14+s3] =	stream.linear.scatter [tilespmem:s13], [sflag:$0x5], $0x80, $0x38;
	[tilespmem:$0x16C00] =	vst v63  }
0x9a: {  	s13 =	sadd.s32 $0x60, s1;
	s14 =	sadd.s32 $0xE7B8, s0;
	s0 =	sshll.u32 @!p1 s30, $0x9  }
0x9b: {  	[hbm4b:s13+s3] =	stream.linear.scatter [tilespmem:s12], [sflag:$0x5], $0x80, $0x38;
	[tilespmem:$0x16C00] =	vst v63  }
0x9c: {  	s10 =	sadd.s32 $0x70, s1;
	s1 =	sand.u32 @!p1 $0x3FFFFE00, s0  }
0x9d: {  	[hbm4b:s10+s3] =	stream.linear.scatter [tilespmem:s14], [sflag:$0x5], $0x80, $0x38;
	[tilespmem:$0x16C00] =	vst v63  }
0x9e: {  	s11 =	simm.s32 @!p1 $0x6400;
	s0 =	sadd.s32 @!p1 $0x200, s1;
	s10 =	simm.s32 @!p1 $0x80  }
0x9f: {  	[tilespmem:s11], [sflag:$0x1] =	stream.indirect.gather @!p1 [hbm4b:s4+s10], $0x40, s0, s10, $0xb8;
	[tilespmem:$0x16C00] =	vst v63  }
0xa0: {  	_ =	swait.ge [sflag:s18], $0x2000  }
0xa1: {  	[sflag:s18] =	ssyncset.done $0x0  }
0xa2: {  	s0 =	simm.s32 @!p0 $0x6;
	[sflag:s18] =	ssyncadd.s32 $0xFFFFE000  }
0xa3: {  	_ =	swait.ge @!p0 [sflag:s0], $0x2000  }
0xa4: {  	[sflag:s0] =	ssyncset.done @!p0 $0x0  }
0xa5: {  	[sflag:s0] =	ssyncadd.s32 @!p0 $0xFFFFE000;
	s0 =	simm.s32 $0x8480  }
0xa6: {  	v4 =	vld [tilespmem:s0+$0x70]  }
0xa7: {  	v6 =	vld [tilespmem:s0+$0x60]  }
0xa8: {  	v5 =	vld [tilespmem:s0+$0x50]  }
0xa9: {  	v7 =	vld [tilespmem:s0+$0x40]  }
0xaa: {  	v8 =	vld [tilespmem:s0+$0x30]  }
0xab: {  	v9 =	vld [tilespmem:s0+$0x20]  }
0xac: {  	v10 =	vld [tilespmem:s0+$0x10]  }
0xad: {  	s11 =	simm.s32 $0x0;
	v11 =	vld [tilespmem:s0+$0x0]  }
0xae: {  	v13 =	vmov s11;
	v12 =	vld [tilespmem:s0+$0xFFFFFFF0]  }
0xaf: {  	v13 =	vand.u32 $0x7C, v13;
	v14 =	vld [tilespmem:s0+$0xFFFFFFE0]  }
0xb0: {  	v17 =	vadd.s32 v0, v13;
	v16 =	vld [tilespmem:s0+$0xFFFFFF80]  }
0xb1: {  	s12 =	simm.s32 $0x1;
	v19 =	vadd.s32 v1, v13;
	v18 =	vld [tilespmem:s0+$0xFFFFFF90]  }
0xb2: {  	v20 =	vmov s12;
	v22 =	vadd.s32 v2, v13;
	v21 =	vld [tilespmem:s0+$0xFFFFFFA0]  }
0xb3: {  	v20 =	vand.u32 $0x7D, v20;
	v13 =	vadd.s32 v3, v13;
	v23 =	vld [tilespmem:s0+$0xFFFFFFB0]  }
0xb4: {  	v25 =	vadd.s32 v0, v20;
	v24 =	vld [tilespmem:s0+$0xFFFFFFC0]  }
0xb5: {  	s13 =	simm.s32 $0x2;
	v51 =	vadd.s32 v1, v20;
	v15 =	vld [tilespmem:s0+$0xFFFFFFD0];
	[tilespmem:v17+s19+$0x0] =	vst.idx.msk $0xffff, v16  }
0xb6: {  	v52 =	vmov s13;
	v53 =	vadd.s32 v2, v20;
	[tilespmem:v19+s19+$0x0] =	vst.idx.msk $0xffff, v18  }
0xb7: {  	v54 =	vadd.s32 v3, v20;
	v17 =	vand.u32 $0x7E, v52;
	[tilespmem:v22+s19+$0x0] =	vst.idx.msk $0xffff, v21  }
0xb8: {  	v55 =	vadd.s32 v0, v17;
	[tilespmem:v13+s19+$0x0] =	vst.idx.msk $0xffff, v23  }
0xb9: {  	s14 =	simm.s32 $0x3;
	v56 =	vadd.s32 v1, v17;
	[tilespmem:v25+s19+$0x0] =	vst.idx.msk $0xffff, v24  }
0xba: {  	v57 =	vmov s14;
	v58 =	vadd.s32 v2, v17;
	[tilespmem:v51+s19+$0x0] =	vst.idx.msk $0xffff, v15  }
0xbb: {  	v60 =	vand.u32 $0x7F, v57;
	v59 =	vadd.s32 v3, v17;
	[tilespmem:v53+s19+$0x0] =	vst.idx.msk $0xffff, v14  }
0xbc: {  	v61 =	vadd.s32 v0, v60;
	[tilespmem:v54+s19+$0x0] =	vst.idx.msk $0xffff, v12  }
0xbd: {  	v62 =	vadd.s32 v1, v60;
	[tilespmem:v55+s19+$0x0] =	vst.idx.msk $0xffff, v11  }
0xbe: {  	[tilespmem:v56+s19+$0x0] =	vst.idx.msk $0xffff, v10  }
0xbf: {  	[tilespmem:v58+s19+$0x0] =	vst.idx.msk $0xffff, v9  }
0xc0: {  	v63 =	vadd.s32 v2, v60;
	[tilespmem:v59+s19+$0x0] =	vst.idx.msk $0xffff, v8  }
0xc1: {  	[tilespmem:v61+s19+$0x0] =	vst.idx.msk $0xffff, v7  }
0xc2: {  	[tilespmem:v62+s19+$0x0] =	vst.idx.msk $0xffff, v5;
	v5 =	vadd.s32 v3, v60;
	_ =	sdelay $0x2  }
0xc3: {  	s10 =	sor.u32 $0x1, s31;
	s11 =	simm.s32 $0x4;
	[tilespmem:v63+s19+$0x0] =	vst.idx.msk $0xffff, v6  }
.LBB2_7:
0xc4: {  	p2 =	sne.s32 s11, $0x7C  }
0xc5: {  	[tilespmem:v5+s19+$0x0] =	vst.idx.msk $0xffff, v4;
	s0 =	sadd.s32 $0x100, s0;
	s12 =	smov.u32 s11;
	s11 =	sadd.s32 $0x4, s11  }
0xc6: {  	v4 =	vld [tilespmem:s0+$0x70]  }
0xc7: {  	v6 =	vld [tilespmem:s0+$0x60]  }
0xc8: {  	v7 =	vld [tilespmem:s0+$0x50]  }
0xc9: {  	v8 =	vld [tilespmem:s0+$0x40]  }
0xca: {  	v9 =	vld [tilespmem:s0+$0x30]  }
0xcb: {  	v5 =	vld [tilespmem:s0+$0x20]  }
0xcc: {  	v10 =	vld [tilespmem:s0+$0x10]  }
0xcd: {  	v11 =	vld [tilespmem:s0+$0x0]  }
0xce: {  	v12 =	vld [tilespmem:s0+$0xFFFFFFF0]  }
0xcf: {  	v13 =	vmov s12;
	v14 =	vld [tilespmem:s0+$0xFFFFFFE0]  }
0xd0: {  	v13 =	vand.u32 $0x7C, v13;
	v15 =	vld [tilespmem:s0+$0xFFFFFFD0]  }
0xd1: {  	v17 =	vadd.s32 v0, v13;
	v16 =	vld [tilespmem:s0+$0xFFFFFF80]  }
0xd2: {  	s13 =	sadd.s32 $0x1, s12;
	v19 =	vadd.s32 v1, v13;
	v18 =	vld [tilespmem:s0+$0xFFFFFF90]  }
0xd3: {  	v20 =	vmov s13;
	v22 =	vadd.s32 v2, v13;
	v21 =	vld [tilespmem:s0+$0xFFFFFFA0]  }
0xd4: {  	v13 =	vadd.s32 v3, v13;
	v20 =	vand.u32 $0x7D, v20;
	v23 =	vld [tilespmem:s0+$0xFFFFFFB0]  }
0xd5: {  	v25 =	vadd.s32 v0, v20;
	v24 =	vld [tilespmem:s0+$0xFFFFFFC0]  }
0xd6: {  	s13 =	sadd.s32 $0x2, s12;
	[tilespmem:v17+s19+$0x0] =	vst.idx.msk $0xffff, v16;
	v16 =	vadd.s32 v1, v20  }
0xd7: {  	v17 =	vmov s13;
	[tilespmem:v19+s19+$0x0] =	vst.idx.msk $0xffff, v18;
	v18 =	vadd.s32 v2, v20  }
0xd8: {  	v19 =	vadd.s32 v3, v20;
	v17 =	vand.u32 $0x7E, v17;
	[tilespmem:v22+s19+$0x0] =	vst.idx.msk $0xffff, v21  }
0xd9: {  	[tilespmem:v13+s19+$0x0] =	vst.idx.msk $0xffff, v23;
	v13 =	vadd.s32 v0, v17  }
0xda: {  	s12 =	sadd.s32 $0x3, s12;
	v20 =	vadd.s32 v1, v17;
	[tilespmem:v25+s19+$0x0] =	vst.idx.msk $0xffff, v24  }
0xdb: {  	v21 =	vmov s12;
	[tilespmem:v16+s19+$0x0] =	vst.idx.msk $0xffff, v15;
	v15 =	vadd.s32 v2, v17  }
0xdc: {  	v16 =	vand.u32 $0x7F, v21;
	[tilespmem:v18+s19+$0x0] =	vst.idx.msk $0xffff, v14;
	v14 =	vadd.s32 v3, v17  }
0xdd: {  	[tilespmem:v19+s19+$0x0] =	vst.idx.msk $0xffff, v12;
	v12 =	vadd.s32 v0, v16  }
0xde: {  	[tilespmem:v13+s19+$0x0] =	vst.idx.msk $0xffff, v11;
	v11 =	vadd.s32 v1, v16  }
0xdf: {  	[tilespmem:v20+s19+$0x0] =	vst.idx.msk $0xffff, v10;
	v10 =	vadd.s32 v2, v16  }
.Ltmp4:
0xe0: {  	[tilespmem:v15+s19+$0x0] =	vst.idx.msk $0xffff, v5;
	v5 =	vadd.s32 v3, v16;
	(pc) =	sbr.rel @p2 .LBB2_7-.Ltmp4, $4  }
0xe1: {  	[tilespmem:v14+s19+$0x0] =	vst.idx.msk $0xffff, v9  }
0xe2: {  	[tilespmem:v12+s19+$0x0] =	vst.idx.msk $0xffff, v8  }
0xe3: {  	[tilespmem:v11+s19+$0x0] =	vst.idx.msk $0xffff, v7  }
0xe4: {  	[tilespmem:v10+s19+$0x0] =	vst.idx.msk $0xffff, v6  }
0xe5: {  	s0 =	sadd.s32 s5, s10  }
0xe6: {  	s10 =	sshll.u32 s0, $0x7  }
0xe7: {  	s0 =	sshll.u32 s0, $0xA;
	s10 =	sand.u32 $0xE80, s10  }
0xe8: {  	s0 =	sand.u32 $0xFFF8000, s0;
	s10 =	sadd.s32 s2, s10  }
0xe9: {  	[tilespmem:v5+s19+$0x0] =	vst.idx.msk $0xffff, v4;
	s11 =	simm.s32 $0x10600;
	s10 =	sadd.s32 s0, s10  }
0xea: {  	[hbm4b:s10+s3] =	stream.linear.scatter [tilespmem:s11], [sflag:$0x6], $0x80, $0x38;
	[tilespmem:$0x16C00] =	vst v63  }
0xeb: {  	s12 =	simm.s32 $0x10688;
	s11 =	sadd.s32 $0x10, s10  }
0xec: {  	[hbm4b:s11+s3] =	stream.linear.scatter [tilespmem:s12], [sflag:$0x6], $0x80, $0x38;
	[tilespmem:$0x16C00] =	vst v63  }
0xed: {  	s13 =	simm.s32 $0x10710;
	s14 =	sadd.s32 $0x20, s10  }
0xee: {  	[hbm4b:s14+s3] =	stream.linear.scatter [tilespmem:s13], [sflag:$0x6], $0x80, $0x38;
	[tilespmem:$0x16C00] =	vst v63  }
0xef: {  	s11 =	simm.s32 $0x10798;
	s12 =	sadd.s32 $0x30, s10  }
0xf0: {  	[hbm4b:s12+s3] =	stream.linear.scatter [tilespmem:s11], [sflag:$0x6], $0x80, $0x38;
	[tilespmem:$0x16C00] =	vst v63  }
0xf1: {  	s13 =	simm.s32 $0x10820;
	s14 =	sadd.s32 $0x40, s10  }
0xf2: {  	[hbm4b:s14+s3] =	stream.linear.scatter [tilespmem:s13], [sflag:$0x6], $0x80, $0x38;
	[tilespmem:$0x16C00] =	vst v63  }
0xf3: {  	s0 =	simm.s32 $0x440;
	s11 =	simm.s32 $0x108A8;
	s12 =	sadd.s32 $0x50, s10  }
0xf4: {  	[hbm4b:s12+s3] =	stream.linear.scatter [tilespmem:s11], [sflag:$0x6], $0x80, $0x38;
	[tilespmem:$0x16C00] =	vst v63  }
0xf5: {  	s13 =	simm.s32 $0x10930;
	s14 =	sadd.s32 $0x60, s10;
	s11 =	simm.s32 $0x2200  }
0xf6: {  	[hbm4b:s14+s3] =	stream.linear.scatter [tilespmem:s13], [sflag:$0x6], $0x80, $0x38;
	[tilespmem:$0x16C00] =	vst v63  }
0xf7: {  	s12 =	simm.s32 $0x109B8;
	s13 =	sadd.s32 $0x70, s10;
	s10 =	sadd.s32 $0x1000, s10  }
.LBB2_9:
0xf8: {  	[hbm4b:s13+s3] =	stream.linear.scatter [tilespmem:s12], [sflag:$0x6], $0x80, $0x38;
	[tilespmem:$0x16C00] =	vst v63  }
0xf9: {  	s12 =	smov.u32 s0;
	s0 =	smov.u32 s11  }
0xfa: {  	s14 =	sadd.s32 $0x1100, s11;
	s0 =	sshra.s32 s0, $0x2;
	s13 =	sadd.s32 $0x10600, s12  }
0xfb: {  	[hbm4b:s10+s3] =	stream.linear.scatter [tilespmem:s13], [sflag:$0x6], $0x80, $0x38;
	[tilespmem:$0x16C00] =	vst v63  }
0xfc: {  	p2 =	sne.s32 s11, $0x7700;
	s11 =	sadd.s32 $0x10688, s12;
	s13 =	sadd.s32 $0x10, s10  }
0xfd: {  	[hbm4b:s13+s3] =	stream.linear.scatter [tilespmem:s11], [sflag:$0x6], $0x80, $0x38;
	[tilespmem:$0x16C00] =	vst v63  }
0xfe: {  	s11 =	sadd.s32 $0x10710, s12;
	s13 =	sadd.s32 $0x20, s10  }
0xff: {  	[hbm4b:s13+s3] =	stream.linear.scatter [tilespmem:s11], [sflag:$0x6], $0x80, $0x38;
	[tilespmem:$0x16C00] =	vst v63  }
0x100: {  	s11 =	sadd.s32 $0x10798, s12;
	s13 =	sadd.s32 $0x30, s10  }
0x101: {  	[hbm4b:s13+s3] =	stream.linear.scatter [tilespmem:s11], [sflag:$0x6], $0x80, $0x38;
	[tilespmem:$0x16C00] =	vst v63  }
0x102: {  	s11 =	sadd.s32 $0x10820, s12;
	s13 =	sadd.s32 $0x40, s10  }
0x103: {  	[hbm4b:s13+s3] =	stream.linear.scatter [tilespmem:s11], [sflag:$0x6], $0x80, $0x38;
	[tilespmem:$0x16C00] =	vst v63  }
.Ltmp5:
0x104: {  	s11 =	sadd.s32 $0x108A8, s12;
	s13 =	sadd.s32 $0x50, s10;
	(pc) =	sbr.rel @p2 .LBB2_9-.Ltmp5, $4  }
0x105: {  	[hbm4b:s13+s3] =	stream.linear.scatter [tilespmem:s11], [sflag:$0x6], $0x80, $0x38;
	[tilespmem:$0x16C00] =	vst v63  }
0x106: {  	s11 =	sadd.s32 $0x10930, s12;
	s13 =	sadd.s32 $0x60, s10;
	s12 =	sadd.s32 $0x109B8, s12  }
0x107: {  	[hbm4b:s13+s3] =	stream.linear.scatter [tilespmem:s11], [sflag:$0x6], $0x80, $0x38;
	[tilespmem:$0x16C00] =	vst v63  }
0x108: {  	s13 =	sadd.s32 $0x70, s10;
	s10 =	sadd.s32 $0x1000, s10;
	s11 =	smov.u32 s14  }
0x109: {  	[hbm4b:s13+s3] =	stream.linear.scatter [tilespmem:s12], [sflag:$0x6], $0x80, $0x38;
	[tilespmem:$0x16C00] =	vst v63  }
0x10a: {  	s11 =	sadd.s32 $0x10600, s0  }
0x10b: {  	[hbm4b:s10+s3] =	stream.linear.scatter [tilespmem:s11], [sflag:$0x6], $0x80, $0x38;
	[tilespmem:$0x16C00] =	vst v63  }
0x10c: {  	s13 =	sadd.s32 $0x10688, s0;
	s14 =	sadd.s32 $0x10, s10  }
0x10d: {  	[hbm4b:s14+s3] =	stream.linear.scatter [tilespmem:s13], [sflag:$0x6], $0x80, $0x38;
	[tilespmem:$0x16C00] =	vst v63  }
0x10e: {  	s13 =	sadd.s32 $0x10710, s0;
	s14 =	sadd.s32 $0x20, s10  }
0x10f: {  	[hbm4b:s14+s3] =	stream.linear.scatter [tilespmem:s13], [sflag:$0x6], $0x80, $0x38;
	[tilespmem:$0x16C00] =	vst v63  }
0x110: {  	s13 =	sadd.s32 $0x10798, s0;
	s14 =	sadd.s32 $0x30, s10  }
0x111: {  	[hbm4b:s14+s3] =	stream.linear.scatter [tilespmem:s13], [sflag:$0x6], $0x80, $0x38;
	[tilespmem:$0x16C00] =	vst v63  }
0x112: {  	s13 =	sadd.s32 $0x10820, s0;
	s14 =	sadd.s32 $0x40, s10  }
0x113: {  	[hbm4b:s14+s3] =	stream.linear.scatter [tilespmem:s13], [sflag:$0x6], $0x80, $0x38;
	[tilespmem:$0x16C00] =	vst v63  }
0x114: {  	s13 =	sadd.s32 $0x108A8, s0;
	s14 =	sadd.s32 $0x50, s10  }
0x115: {  	[hbm4b:s14+s3] =	stream.linear.scatter [tilespmem:s13], [sflag:$0x6], $0x80, $0x38;
	[tilespmem:$0x16C00] =	vst v63  }
0x116: {  	s13 =	sadd.s32 $0x10930, s0;
	s14 =	sadd.s32 $0x60, s10  }
0x117: {  	[hbm4b:s14+s3] =	stream.linear.scatter [tilespmem:s13], [sflag:$0x6], $0x80, $0x38;
	[tilespmem:$0x16C00] =	vst v63  }
0x118: {  	s13 =	sadd.s32 $0x109B8, s0;
	s14 =	sadd.s32 $0x70, s10  }
0x119: {  	[hbm4b:s14+s3] =	stream.linear.scatter [tilespmem:s13], [sflag:$0x6], $0x80, $0x38;
	[tilespmem:$0x16C00] =	vst v63  }
0x11a: {  	s11 =	simm.s32 @!p1 $0x8400;
	s0 =	sadd.s32 @!p1 $0x280, s1;
	s10 =	simm.s32 @!p1 $0x80  }
0x11b: {  	[tilespmem:s11], [sflag:$0x2] =	stream.indirect.gather @!p1 [hbm4b:s4+s10], $0x40, s0, s10, $0xb8;
	[tilespmem:$0x16C00] =	vst v63  }
0x11c: {  	_ =	swait.ge [sflag:s20], $0x2000  }
0x11d: {  	[sflag:s20] =	ssyncset.done $0x0  }
0x11e: {  	s0 =	simm.s32 @!p0 $0x7;
	[sflag:s20] =	ssyncadd.s32 $0xFFFFE000  }
0x11f: {  	_ =	swait.ge @!p0 [sflag:s0], $0x2000  }
0x120: {  	[sflag:s0] =	ssyncset.done @!p0 $0x0  }
0x121: {  	[sflag:s0] =	ssyncadd.s32 @!p0 $0xFFFFE000;
	s0 =	simm.s32 $0xA480  }
0x122: {  	v4 =	vld [tilespmem:s0+$0x70]  }
0x123: {  	v6 =	vld [tilespmem:s0+$0x60]  }
0x124: {  	v5 =	vld [tilespmem:s0+$0x50]  }
0x125: {  	v7 =	vld [tilespmem:s0+$0x40]  }
0x126: {  	v8 =	vld [tilespmem:s0+$0x30]  }
0x127: {  	v9 =	vld [tilespmem:s0+$0x20]  }
0x128: {  	v10 =	vld [tilespmem:s0+$0x10]  }
0x129: {  	s11 =	simm.s32 $0x0;
	v11 =	vld [tilespmem:s0+$0x0]  }
0x12a: {  	v13 =	vmov s11;
	v12 =	vld [tilespmem:s0+$0xFFFFFFF0]  }
0x12b: {  	v13 =	vand.u32 $0x7C, v13;
	v14 =	vld [tilespmem:s0+$0xFFFFFFE0]  }
0x12c: {  	v17 =	vadd.s32 v0, v13;
	v16 =	vld [tilespmem:s0+$0xFFFFFF80]  }
0x12d: {  	s12 =	simm.s32 $0x1;
	v19 =	vadd.s32 v1, v13;
	v18 =	vld [tilespmem:s0+$0xFFFFFF90]  }
0x12e: {  	v20 =	vmov s12;
	v22 =	vadd.s32 v2, v13;
	v21 =	vld [tilespmem:s0+$0xFFFFFFA0]  }
0x12f: {  	v20 =	vand.u32 $0x7D, v20;
	v13 =	vadd.s32 v3, v13;
	v23 =	vld [tilespmem:s0+$0xFFFFFFB0]  }
0x130: {  	v25 =	vadd.s32 v0, v20;
	v24 =	vld [tilespmem:s0+$0xFFFFFFC0]  }
0x131: {  	v51 =	vadd.s32 v1, v20;
	s13 =	simm.s32 $0x2;
	v15 =	vld [tilespmem:s0+$0xFFFFFFD0];
	[tilespmem:v17+s21+$0x0] =	vst.idx.msk $0xffff, v16  }
0x132: {  	v53 =	vadd.s32 v2, v20;
	v52 =	vmov s13;
	[tilespmem:v19+s21+$0x0] =	vst.idx.msk $0xffff, v18  }
0x133: {  	v54 =	vadd.s32 v3, v20;
	v17 =	vand.u32 $0x7E, v52;
	[tilespmem:v22+s21+$0x0] =	vst.idx.msk $0xffff, v21  }
0x134: {  	v55 =	vadd.s32 v0, v17;
	[tilespmem:v13+s21+$0x0] =	vst.idx.msk $0xffff, v23  }
0x135: {  	s14 =	simm.s32 $0x3;
	v56 =	vadd.s32 v1, v17;
	[tilespmem:v25+s21+$0x0] =	vst.idx.msk $0xffff, v24  }
0x136: {  	v57 =	vmov s14;
	v58 =	vadd.s32 v2, v17;
	[tilespmem:v51+s21+$0x0] =	vst.idx.msk $0xffff, v15  }
0x137: {  	v60 =	vand.u32 $0x7F, v57;
	v59 =	vadd.s32 v3, v17;
	[tilespmem:v53+s21+$0x0] =	vst.idx.msk $0xffff, v14  }
0x138: {  	v61 =	vadd.s32 v0, v60;
	[tilespmem:v54+s21+$0x0] =	vst.idx.msk $0xffff, v12  }
0x139: {  	v62 =	vadd.s32 v1, v60;
	[tilespmem:v55+s21+$0x0] =	vst.idx.msk $0xffff, v11  }
0x13a: {  	[tilespmem:v56+s21+$0x0] =	vst.idx.msk $0xffff, v10  }
0x13b: {  	[tilespmem:v58+s21+$0x0] =	vst.idx.msk $0xffff, v9  }
0x13c: {  	v63 =	vadd.s32 v2, v60;
	[tilespmem:v59+s21+$0x0] =	vst.idx.msk $0xffff, v8  }
0x13d: {  	[tilespmem:v61+s21+$0x0] =	vst.idx.msk $0xffff, v7  }
0x13e: {  	[tilespmem:v62+s21+$0x0] =	vst.idx.msk $0xffff, v5;
	v5 =	vadd.s32 v3, v60;
	_ =	sdelay $0x2  }
0x13f: {  	s10 =	sor.u32 $0x2, s31;
	s11 =	simm.s32 $0x4;
	[tilespmem:v63+s21+$0x0] =	vst.idx.msk $0xffff, v6  }
.LBB2_11:
0x140: {  	p2 =	sne.s32 s11, $0x7C  }
0x141: {  	[tilespmem:v5+s21+$0x0] =	vst.idx.msk $0xffff, v4;
	s0 =	sadd.s32 $0x100, s0;
	s12 =	smov.u32 s11;
	s11 =	sadd.s32 $0x4, s11  }
0x142: {  	v4 =	vld [tilespmem:s0+$0x70]  }
0x143: {  	v6 =	vld [tilespmem:s0+$0x60]  }
0x144: {  	v7 =	vld [tilespmem:s0+$0x50]  }
0x145: {  	v8 =	vld [tilespmem:s0+$0x40]  }
0x146: {  	v9 =	vld [tilespmem:s0+$0x30]  }
0x147: {  	v5 =	vld [tilespmem:s0+$0x20]  }
0x148: {  	v10 =	vld [tilespmem:s0+$0x10]  }
0x149: {  	v11 =	vld [tilespmem:s0+$0x0]  }
0x14a: {  	v12 =	vld [tilespmem:s0+$0xFFFFFFF0]  }
0x14b: {  	v13 =	vmov s12;
	v14 =	vld [tilespmem:s0+$0xFFFFFFE0]  }
0x14c: {  	v13 =	vand.u32 $0x7C, v13;
	v15 =	vld [tilespmem:s0+$0xFFFFFFD0]  }
0x14d: {  	v17 =	vadd.s32 v0, v13;
	v16 =	vld [tilespmem:s0+$0xFFFFFF80]  }
0x14e: {  	s13 =	sadd.s32 $0x1, s12;
	v19 =	vadd.s32 v1, v13;
	v18 =	vld [tilespmem:s0+$0xFFFFFF90]  }
0x14f: {  	v20 =	vmov s13;
	v22 =	vadd.s32 v2, v13;
	v21 =	vld [tilespmem:s0+$0xFFFFFFA0]  }
0x150: {  	v13 =	vadd.s32 v3, v13;
	v20 =	vand.u32 $0x7D, v20;
	v23 =	vld [tilespmem:s0+$0xFFFFFFB0]  }
0x151: {  	v25 =	vadd.s32 v0, v20;
	v24 =	vld [tilespmem:s0+$0xFFFFFFC0]  }
0x152: {  	s13 =	sadd.s32 $0x2, s12;
	[tilespmem:v17+s21+$0x0] =	vst.idx.msk $0xffff, v16;
	v16 =	vadd.s32 v1, v20  }
0x153: {  	v17 =	vmov s13;
	[tilespmem:v19+s21+$0x0] =	vst.idx.msk $0xffff, v18;
	v18 =	vadd.s32 v2, v20  }
0x154: {  	v19 =	vadd.s32 v3, v20;
	v17 =	vand.u32 $0x7E, v17;
	[tilespmem:v22+s21+$0x0] =	vst.idx.msk $0xffff, v21  }
0x155: {  	[tilespmem:v13+s21+$0x0] =	vst.idx.msk $0xffff, v23;
	v13 =	vadd.s32 v0, v17  }
0x156: {  	s12 =	sadd.s32 $0x3, s12;
	v20 =	vadd.s32 v1, v17;
	[tilespmem:v25+s21+$0x0] =	vst.idx.msk $0xffff, v24  }
0x157: {  	v21 =	vmov s12;
	[tilespmem:v16+s21+$0x0] =	vst.idx.msk $0xffff, v15;
	v15 =	vadd.s32 v2, v17  }
0x158: {  	v16 =	vand.u32 $0x7F, v21;
	[tilespmem:v18+s21+$0x0] =	vst.idx.msk $0xffff, v14;
	v14 =	vadd.s32 v3, v17  }
0x159: {  	[tilespmem:v19+s21+$0x0] =	vst.idx.msk $0xffff, v12;
	v12 =	vadd.s32 v0, v16  }
0x15a: {  	[tilespmem:v13+s21+$0x0] =	vst.idx.msk $0xffff, v11;
	v11 =	vadd.s32 v1, v16  }
0x15b: {  	[tilespmem:v20+s21+$0x0] =	vst.idx.msk $0xffff, v10;
	v10 =	vadd.s32 v2, v16  }
.Ltmp6:
0x15c: {  	[tilespmem:v15+s21+$0x0] =	vst.idx.msk $0xffff, v5;
	v5 =	vadd.s32 v3, v16;
	(pc) =	sbr.rel @p2 .LBB2_11-.Ltmp6, $4  }
0x15d: {  	[tilespmem:v14+s21+$0x0] =	vst.idx.msk $0xffff, v9  }
0x15e: {  	[tilespmem:v12+s21+$0x0] =	vst.idx.msk $0xffff, v8  }
0x15f: {  	[tilespmem:v11+s21+$0x0] =	vst.idx.msk $0xffff, v7  }
0x160: {  	[tilespmem:v10+s21+$0x0] =	vst.idx.msk $0xffff, v6  }
0x161: {  	s0 =	sadd.s32 s5, s10  }
0x162: {  	s10 =	sshll.u32 s0, $0x7  }
0x163: {  	s0 =	sshll.u32 s0, $0xA;
	s10 =	sand.u32 $0xF00, s10  }
0x164: {  	s0 =	sand.u32 $0xFFF8000, s0;
	s10 =	sadd.s32 s2, s10  }
0x165: {  	[tilespmem:v5+s21+$0x0] =	vst.idx.msk $0xffff, v4;
	s11 =	simm.s32 $0x12800;
	s10 =	sadd.s32 s0, s10  }
0x166: {  	[hbm4b:s10+s3] =	stream.linear.scatter [tilespmem:s11], [sflag:$0x7], $0x80, $0x38;
	[tilespmem:$0x16C00] =	vst v63  }
0x167: {  	s12 =	simm.s32 $0x12888;
	s11 =	sadd.s32 $0x10, s10  }
0x168: {  	[hbm4b:s11+s3] =	stream.linear.scatter [tilespmem:s12], [sflag:$0x7], $0x80, $0x38;
	[tilespmem:$0x16C00] =	vst v63  }
0x169: {  	s13 =	simm.s32 $0x12910;
	s14 =	sadd.s32 $0x20, s10  }
0x16a: {  	[hbm4b:s14+s3] =	stream.linear.scatter [tilespmem:s13], [sflag:$0x7], $0x80, $0x38;
	[tilespmem:$0x16C00] =	vst v63  }
0x16b: {  	s11 =	simm.s32 $0x12998;
	s12 =	sadd.s32 $0x30, s10  }
0x16c: {  	[hbm4b:s12+s3] =	stream.linear.scatter [tilespmem:s11], [sflag:$0x7], $0x80, $0x38;
	[tilespmem:$0x16C00] =	vst v63  }
0x16d: {  	s13 =	simm.s32 $0x12A20;
	s14 =	sadd.s32 $0x40, s10  }
0x16e: {  	[hbm4b:s14+s3] =	stream.linear.scatter [tilespmem:s13], [sflag:$0x7], $0x80, $0x38;
	[tilespmem:$0x16C00] =	vst v63  }
0x16f: {  	s0 =	simm.s32 $0x440;
	s11 =	simm.s32 $0x12AA8;
	s12 =	sadd.s32 $0x50, s10  }
0x170: {  	[hbm4b:s12+s3] =	stream.linear.scatter [tilespmem:s11], [sflag:$0x7], $0x80, $0x38;
	[tilespmem:$0x16C00] =	vst v63  }
0x171: {  	s13 =	simm.s32 $0x12B30;
	s14 =	sadd.s32 $0x60, s10;
	s11 =	simm.s32 $0x2200  }
0x172: {  	[hbm4b:s14+s3] =	stream.linear.scatter [tilespmem:s13], [sflag:$0x7], $0x80, $0x38;
	[tilespmem:$0x16C00] =	vst v63  }
0x173: {  	s12 =	simm.s32 $0x12BB8;
	s13 =	sadd.s32 $0x70, s10;
	s10 =	sadd.s32 $0x1000, s10  }
.LBB2_13:
0x174: {  	[hbm4b:s13+s3] =	stream.linear.scatter [tilespmem:s12], [sflag:$0x7], $0x80, $0x38;
	[tilespmem:$0x16C00] =	vst v63  }
0x175: {  	s12 =	smov.u32 s0;
	s0 =	smov.u32 s11  }
0x176: {  	s14 =	sadd.s32 $0x1100, s11;
	s0 =	sshra.s32 s0, $0x2;
	s13 =	sadd.s32 $0x12800, s12  }
0x177: {  	[hbm4b:s10+s3] =	stream.linear.scatter [tilespmem:s13], [sflag:$0x7], $0x80, $0x38;
	[tilespmem:$0x16C00] =	vst v63  }
0x178: {  	p2 =	sne.s32 s11, $0x7700;
	s11 =	sadd.s32 $0x12888, s12;
	s13 =	sadd.s32 $0x10, s10  }
0x179: {  	[hbm4b:s13+s3] =	stream.linear.scatter [tilespmem:s11], [sflag:$0x7], $0x80, $0x38;
	[tilespmem:$0x16C00] =	vst v63  }
0x17a: {  	s11 =	sadd.s32 $0x12910, s12;
	s13 =	sadd.s32 $0x20, s10  }
0x17b: {  	[hbm4b:s13+s3] =	stream.linear.scatter [tilespmem:s11], [sflag:$0x7], $0x80, $0x38;
	[tilespmem:$0x16C00] =	vst v63  }
0x17c: {  	s11 =	sadd.s32 $0x12998, s12;
	s13 =	sadd.s32 $0x30, s10  }
0x17d: {  	[hbm4b:s13+s3] =	stream.linear.scatter [tilespmem:s11], [sflag:$0x7], $0x80, $0x38;
	[tilespmem:$0x16C00] =	vst v63  }
0x17e: {  	s11 =	sadd.s32 $0x12A20, s12;
	s13 =	sadd.s32 $0x40, s10  }
0x17f: {  	[hbm4b:s13+s3] =	stream.linear.scatter [tilespmem:s11], [sflag:$0x7], $0x80, $0x38;
	[tilespmem:$0x16C00] =	vst v63  }
.Ltmp7:
0x180: {  	s11 =	sadd.s32 $0x12AA8, s12;
	s13 =	sadd.s32 $0x50, s10;
	(pc) =	sbr.rel @p2 .LBB2_13-.Ltmp7, $4  }
0x181: {  	[hbm4b:s13+s3] =	stream.linear.scatter [tilespmem:s11], [sflag:$0x7], $0x80, $0x38;
	[tilespmem:$0x16C00] =	vst v63  }
0x182: {  	s11 =	sadd.s32 $0x12B30, s12;
	s13 =	sadd.s32 $0x60, s10;
	s12 =	sadd.s32 $0x12BB8, s12  }
0x183: {  	[hbm4b:s13+s3] =	stream.linear.scatter [tilespmem:s11], [sflag:$0x7], $0x80, $0x38;
	[tilespmem:$0x16C00] =	vst v63  }
0x184: {  	s13 =	sadd.s32 $0x70, s10;
	s10 =	sadd.s32 $0x1000, s10;
	s11 =	smov.u32 s14  }
0x185: {  	[hbm4b:s13+s3] =	stream.linear.scatter [tilespmem:s12], [sflag:$0x7], $0x80, $0x38;
	[tilespmem:$0x16C00] =	vst v63  }
0x186: {  	s11 =	sadd.s32 $0x12800, s0  }
0x187: {  	[hbm4b:s10+s3] =	stream.linear.scatter [tilespmem:s11], [sflag:$0x7], $0x80, $0x38;
	[tilespmem:$0x16C00] =	vst v63  }
0x188: {  	s13 =	sadd.s32 $0x12888, s0;
	s14 =	sadd.s32 $0x10, s10  }
0x189: {  	[hbm4b:s14+s3] =	stream.linear.scatter [tilespmem:s13], [sflag:$0x7], $0x80, $0x38;
	[tilespmem:$0x16C00] =	vst v63  }
0x18a: {  	s13 =	sadd.s32 $0x12910, s0;
	s14 =	sadd.s32 $0x20, s10  }
0x18b: {  	[hbm4b:s14+s3] =	stream.linear.scatter [tilespmem:s13], [sflag:$0x7], $0x80, $0x38;
	[tilespmem:$0x16C00] =	vst v63  }
0x18c: {  	s13 =	sadd.s32 $0x12998, s0;
	s14 =	sadd.s32 $0x30, s10  }
0x18d: {  	[hbm4b:s14+s3] =	stream.linear.scatter [tilespmem:s13], [sflag:$0x7], $0x80, $0x38;
	[tilespmem:$0x16C00] =	vst v63  }
0x18e: {  	s13 =	sadd.s32 $0x12A20, s0;
	s14 =	sadd.s32 $0x40, s10  }
0x18f: {  	[hbm4b:s14+s3] =	stream.linear.scatter [tilespmem:s13], [sflag:$0x7], $0x80, $0x38;
	[tilespmem:$0x16C00] =	vst v63  }
0x190: {  	s13 =	sadd.s32 $0x12AA8, s0;
	s14 =	sadd.s32 $0x50, s10  }
0x191: {  	[hbm4b:s14+s3] =	stream.linear.scatter [tilespmem:s13], [sflag:$0x7], $0x80, $0x38;
	[tilespmem:$0x16C00] =	vst v63  }
0x192: {  	s13 =	sadd.s32 $0x12B30, s0;
	s14 =	sadd.s32 $0x60, s10  }
0x193: {  	[hbm4b:s14+s3] =	stream.linear.scatter [tilespmem:s13], [sflag:$0x7], $0x80, $0x38;
	[tilespmem:$0x16C00] =	vst v63  }
0x194: {  	s13 =	sadd.s32 $0x12BB8, s0;
	s14 =	sadd.s32 $0x70, s10  }
0x195: {  	[hbm4b:s14+s3] =	stream.linear.scatter [tilespmem:s13], [sflag:$0x7], $0x80, $0x38;
	[tilespmem:$0x16C00] =	vst v63  }
0x196: {  	s0 =	sadd.s32 @!p1 $0x300, s1;
	s1 =	simm.s32 @!p1 $0x80;
	s10 =	simm.s32 @!p1 $0xA400  }
0x197: {  	[tilespmem:s10], [sflag:$0x3] =	stream.indirect.gather @!p1 [hbm4b:s4+s1], $0x40, s0, s1, $0xb8;
	[tilespmem:$0x16C00] =	vst v63  }
0x198: {  	_ =	swait.ge [sflag:s22], $0x2000  }
0x199: {  	[sflag:s22] =	ssyncset.done $0x0  }
0x19a: {  	s0 =	simm.s32 @!p0 $0x8;
	[sflag:s22] =	ssyncadd.s32 $0xFFFFE000  }
0x19b: {  	_ =	swait.ge @!p0 [sflag:s0], $0x2000  }
0x19c: {  	[sflag:s0] =	ssyncset.done @!p0 $0x0  }
0x19d: {  	[sflag:s0] =	ssyncadd.s32 @!p0 $0xFFFFE000;
	s0 =	simm.s32 $0xC480  }
0x19e: {  	v4 =	vld [tilespmem:s0+$0x70]  }
0x19f: {  	v6 =	vld [tilespmem:s0+$0x60]  }
0x1a0: {  	v5 =	vld [tilespmem:s0+$0x50]  }
0x1a1: {  	v7 =	vld [tilespmem:s0+$0x40]  }
0x1a2: {  	v8 =	vld [tilespmem:s0+$0x30]  }
0x1a3: {  	v9 =	vld [tilespmem:s0+$0x20]  }
0x1a4: {  	v10 =	vld [tilespmem:s0+$0x10]  }
0x1a5: {  	s11 =	simm.s32 $0x0;
	v11 =	vld [tilespmem:s0+$0x0]  }
0x1a6: {  	v13 =	vmov s11;
	v12 =	vld [tilespmem:s0+$0xFFFFFFF0]  }
0x1a7: {  	v13 =	vand.u32 $0x7C, v13;
	v14 =	vld [tilespmem:s0+$0xFFFFFFE0]  }
0x1a8: {  	v17 =	vadd.s32 v0, v13;
	v16 =	vld [tilespmem:s0+$0xFFFFFF80]  }
0x1a9: {  	s12 =	simm.s32 $0x1;
	v19 =	vadd.s32 v1, v13;
	v18 =	vld [tilespmem:s0+$0xFFFFFF90]  }
0x1aa: {  	v20 =	vmov s12;
	v22 =	vadd.s32 v2, v13;
	v21 =	vld [tilespmem:s0+$0xFFFFFFA0]  }
0x1ab: {  	v20 =	vand.u32 $0x7D, v20;
	v13 =	vadd.s32 v3, v13;
	v23 =	vld [tilespmem:s0+$0xFFFFFFB0]  }
0x1ac: {  	v25 =	vadd.s32 v0, v20;
	v24 =	vld [tilespmem:s0+$0xFFFFFFC0]  }
0x1ad: {  	v51 =	vadd.s32 v1, v20;
	s13 =	simm.s32 $0x2;
	v15 =	vld [tilespmem:s0+$0xFFFFFFD0];
	[tilespmem:v17+s23+$0x0] =	vst.idx.msk $0xffff, v16  }
0x1ae: {  	v53 =	vadd.s32 v2, v20;
	v52 =	vmov s13;
	[tilespmem:v19+s23+$0x0] =	vst.idx.msk $0xffff, v18  }
0x1af: {  	v54 =	vadd.s32 v3, v20;
	v17 =	vand.u32 $0x7E, v52;
	[tilespmem:v22+s23+$0x0] =	vst.idx.msk $0xffff, v21  }
0x1b0: {  	v55 =	vadd.s32 v0, v17;
	[tilespmem:v13+s23+$0x0] =	vst.idx.msk $0xffff, v23  }
0x1b1: {  	s14 =	simm.s32 $0x3;
	v56 =	vadd.s32 v1, v17;
	[tilespmem:v25+s23+$0x0] =	vst.idx.msk $0xffff, v24  }
0x1b2: {  	v57 =	vmov s14;
	v58 =	vadd.s32 v2, v17;
	[tilespmem:v51+s23+$0x0] =	vst.idx.msk $0xffff, v15  }
0x1b3: {  	v60 =	vand.u32 $0x7F, v57;
	v59 =	vadd.s32 v3, v17;
	[tilespmem:v53+s23+$0x0] =	vst.idx.msk $0xffff, v14  }
0x1b4: {  	v61 =	vadd.s32 v0, v60;
	[tilespmem:v54+s23+$0x0] =	vst.idx.msk $0xffff, v12  }
0x1b5: {  	v62 =	vadd.s32 v1, v60;
	[tilespmem:v55+s23+$0x0] =	vst.idx.msk $0xffff, v11  }
0x1b6: {  	[tilespmem:v56+s23+$0x0] =	vst.idx.msk $0xffff, v10  }
0x1b7: {  	[tilespmem:v58+s23+$0x0] =	vst.idx.msk $0xffff, v9  }
0x1b8: {  	v63 =	vadd.s32 v2, v60;
	[tilespmem:v59+s23+$0x0] =	vst.idx.msk $0xffff, v8  }
0x1b9: {  	[tilespmem:v61+s23+$0x0] =	vst.idx.msk $0xffff, v7  }
0x1ba: {  	[tilespmem:v62+s23+$0x0] =	vst.idx.msk $0xffff, v5;
	v5 =	vadd.s32 v3, v60;
	_ =	sdelay $0x2  }
0x1bb: {  	s1 =	sor.u32 $0x3, s31;
	s10 =	simm.s32 $0x4;
	[tilespmem:v63+s23+$0x0] =	vst.idx.msk $0xffff, v6  }
.LBB2_15:
0x1bc: {  	p0 =	sne.s32 s10, $0x7C  }
0x1bd: {  	[tilespmem:v5+s23+$0x0] =	vst.idx.msk $0xffff, v4;
	s0 =	sadd.s32 $0x100, s0;
	s11 =	smov.u32 s10;
	s10 =	sadd.s32 $0x4, s10  }
0x1be: {  	v4 =	vld [tilespmem:s0+$0x70]  }
0x1bf: {  	v6 =	vld [tilespmem:s0+$0x60]  }
0x1c0: {  	v7 =	vld [tilespmem:s0+$0x50]  }
0x1c1: {  	v8 =	vld [tilespmem:s0+$0x40]  }
0x1c2: {  	v9 =	vld [tilespmem:s0+$0x30]  }
0x1c3: {  	v5 =	vld [tilespmem:s0+$0x20]  }
0x1c4: {  	v10 =	vld [tilespmem:s0+$0x10]  }
0x1c5: {  	v11 =	vld [tilespmem:s0+$0x0]  }
0x1c6: {  	v12 =	vld [tilespmem:s0+$0xFFFFFFF0]  }
0x1c7: {  	v13 =	vmov s11;
	v14 =	vld [tilespmem:s0+$0xFFFFFFE0]  }
0x1c8: {  	v13 =	vand.u32 $0x7C, v13;
	v15 =	vld [tilespmem:s0+$0xFFFFFFD0]  }
0x1c9: {  	v17 =	vadd.s32 v0, v13;
	v16 =	vld [tilespmem:s0+$0xFFFFFF80]  }
0x1ca: {  	s12 =	sadd.s32 $0x1, s11;
	v19 =	vadd.s32 v1, v13;
	v18 =	vld [tilespmem:s0+$0xFFFFFF90]  }
0x1cb: {  	v20 =	vmov s12;
	v22 =	vadd.s32 v2, v13;
	v21 =	vld [tilespmem:s0+$0xFFFFFFA0]  }
0x1cc: {  	v13 =	vadd.s32 v3, v13;
	v20 =	vand.u32 $0x7D, v20;
	v23 =	vld [tilespmem:s0+$0xFFFFFFB0]  }
0x1cd: {  	v25 =	vadd.s32 v0, v20;
	v24 =	vld [tilespmem:s0+$0xFFFFFFC0]  }
0x1ce: {  	s12 =	sadd.s32 $0x2, s11;
	[tilespmem:v17+s23+$0x0] =	vst.idx.msk $0xffff, v16;
	v16 =	vadd.s32 v1, v20  }
0x1cf: {  	v17 =	vmov s12;
	[tilespmem:v19+s23+$0x0] =	vst.idx.msk $0xffff, v18;
	v18 =	vadd.s32 v2, v20  }
0x1d0: {  	v19 =	vadd.s32 v3, v20;
	v17 =	vand.u32 $0x7E, v17;
	[tilespmem:v22+s23+$0x0] =	vst.idx.msk $0xffff, v21  }
0x1d1: {  	[tilespmem:v13+s23+$0x0] =	vst.idx.msk $0xffff, v23;
	v13 =	vadd.s32 v0, v17  }
0x1d2: {  	s11 =	sadd.s32 $0x3, s11;
	v20 =	vadd.s32 v1, v17;
	[tilespmem:v25+s23+$0x0] =	vst.idx.msk $0xffff, v24  }
0x1d3: {  	v21 =	vmov s11;
	[tilespmem:v16+s23+$0x0] =	vst.idx.msk $0xffff, v15;
	v15 =	vadd.s32 v2, v17  }
0x1d4: {  	v16 =	vand.u32 $0x7F, v21;
	[tilespmem:v18+s23+$0x0] =	vst.idx.msk $0xffff, v14;
	v14 =	vadd.s32 v3, v17  }
0x1d5: {  	[tilespmem:v19+s23+$0x0] =	vst.idx.msk $0xffff, v12;
	v12 =	vadd.s32 v0, v16  }
0x1d6: {  	[tilespmem:v13+s23+$0x0] =	vst.idx.msk $0xffff, v11;
	v11 =	vadd.s32 v1, v16  }
0x1d7: {  	[tilespmem:v20+s23+$0x0] =	vst.idx.msk $0xffff, v10;
	v10 =	vadd.s32 v2, v16  }
.Ltmp8:
0x1d8: {  	[tilespmem:v15+s23+$0x0] =	vst.idx.msk $0xffff, v5;
	v5 =	vadd.s32 v3, v16;
	(pc) =	sbr.rel @p0 .LBB2_15-.Ltmp8, $4  }
0x1d9: {  	[tilespmem:v14+s23+$0x0] =	vst.idx.msk $0xffff, v9  }
0x1da: {  	[tilespmem:v12+s23+$0x0] =	vst.idx.msk $0xffff, v8  }
0x1db: {  	[tilespmem:v11+s23+$0x0] =	vst.idx.msk $0xffff, v7  }
0x1dc: {  	[tilespmem:v10+s23+$0x0] =	vst.idx.msk $0xffff, v6  }
0x1dd: {  	s0 =	sadd.s32 s5, s1  }
0x1de: {  	s1 =	sshll.u32 s0, $0x7  }
0x1df: {  	s0 =	sshll.u32 s0, $0xA;
	s1 =	sand.u32 $0xF80, s1  }
0x1e0: {  	s0 =	sand.u32 $0xFFF8000, s0;
	s1 =	sadd.s32 s2, s1  }
0x1e1: {  	[tilespmem:v5+s23+$0x0] =	vst.idx.msk $0xffff, v4;
	s10 =	simm.s32 $0x14A00;
	s1 =	sadd.s32 s0, s1  }
0x1e2: {  	[hbm4b:s1+s3] =	stream.linear.scatter [tilespmem:s10], [sflag:$0x8], $0x80, $0x38;
	[tilespmem:$0x16C00] =	vst v63  }
0x1e3: {  	s11 =	simm.s32 $0x14A88;
	s10 =	sadd.s32 $0x10, s1  }
0x1e4: {  	[hbm4b:s10+s3] =	stream.linear.scatter [tilespmem:s11], [sflag:$0x8], $0x80, $0x38;
	[tilespmem:$0x16C00] =	vst v63  }
0x1e5: {  	s12 =	simm.s32 $0x14B10;
	s14 =	simm.s32 $0x14B98;
	s13 =	sadd.s32 $0x20, s1  }
0x1e6: {  	[hbm4b:s13+s3] =	stream.linear.scatter [tilespmem:s12], [sflag:$0x8], $0x80, $0x38;
	[tilespmem:$0x16C00] =	vst v63  }
0x1e7: {  	s0 =	simm.s32 $0x440;
	s31 =	sadd.s32 $0x30, s1;
	s10 =	simm.s32 $0x14C20  }
0x1e8: {  	[hbm4b:s31+s3] =	stream.linear.scatter [tilespmem:s14], [sflag:$0x8], $0x80, $0x38;
	[tilespmem:$0x16C00] =	vst v63  }
0x1e9: {  	s11 =	sadd.s32 $0x40, s1;
	s12 =	simm.s32 $0x14CA8;
	s13 =	sadd.s32 $0x50, s1  }
0x1ea: {  	[hbm4b:s11+s3] =	stream.linear.scatter [tilespmem:s10], [sflag:$0x8], $0x80, $0x38;
	[tilespmem:$0x16C00] =	vst v63  }
0x1eb: {  	s14 =	simm.s32 $0x14D30;
	s31 =	sadd.s32 $0x60, s1;
	s10 =	simm.s32 $0x2200  }
0x1ec: {  	[hbm4b:s13+s3] =	stream.linear.scatter [tilespmem:s12], [sflag:$0x8], $0x80, $0x38;
	[tilespmem:$0x16C00] =	vst v63  }
0x1ed: {  	s11 =	simm.s32 $0x14DB8;
	s12 =	sadd.s32 $0x70, s1;
	s1 =	sadd.s32 $0x1000, s1  }
0x1ee: {  	[hbm4b:s31+s3] =	stream.linear.scatter [tilespmem:s14], [sflag:$0x8], $0x80, $0x38;
	[tilespmem:$0x16C00] =	vst v63  }
.LBB2_17:
0x1ef: {  	[hbm4b:s12+s3] =	stream.linear.scatter [tilespmem:s11], [sflag:$0x8], $0x80, $0x38;
	[tilespmem:$0x16C00] =	vst v63  }
0x1f0: {  	s11 =	smov.u32 s0;
	s0 =	smov.u32 s10  }
0x1f1: {  	s13 =	sadd.s32 $0x1100, s10;
	s0 =	sshra.s32 s0, $0x2;
	s12 =	sadd.s32 $0x14A00, s11  }
0x1f2: {  	[hbm4b:s1+s3] =	stream.linear.scatter [tilespmem:s12], [sflag:$0x8], $0x80, $0x38;
	[tilespmem:$0x16C00] =	vst v63  }
0x1f3: {  	p0 =	sne.s32 s10, $0x7700;
	s10 =	sadd.s32 $0x14A88, s11;
	s12 =	sadd.s32 $0x10, s1  }
0x1f4: {  	[hbm4b:s12+s3] =	stream.linear.scatter [tilespmem:s10], [sflag:$0x8], $0x80, $0x38;
	[tilespmem:$0x16C00] =	vst v63  }
0x1f5: {  	s10 =	sadd.s32 $0x14B10, s11;
	s12 =	sadd.s32 $0x20, s1  }
0x1f6: {  	[hbm4b:s12+s3] =	stream.linear.scatter [tilespmem:s10], [sflag:$0x8], $0x80, $0x38;
	[tilespmem:$0x16C00] =	vst v63  }
0x1f7: {  	s10 =	sadd.s32 $0x14B98, s11;
	s12 =	sadd.s32 $0x30, s1  }
0x1f8: {  	[hbm4b:s12+s3] =	stream.linear.scatter [tilespmem:s10], [sflag:$0x8], $0x80, $0x38;
	[tilespmem:$0x16C00] =	vst v63  }
0x1f9: {  	s10 =	sadd.s32 $0x14C20, s11;
	s12 =	sadd.s32 $0x40, s1  }
0x1fa: {  	[hbm4b:s12+s3] =	stream.linear.scatter [tilespmem:s10], [sflag:$0x8], $0x80, $0x38;
	[tilespmem:$0x16C00] =	vst v63  }
.Ltmp9:
0x1fb: {  	s10 =	sadd.s32 $0x14CA8, s11;
	s12 =	sadd.s32 $0x50, s1;
	(pc) =	sbr.rel @p0 .LBB2_17-.Ltmp9, $4  }
0x1fc: {  	[hbm4b:s12+s3] =	stream.linear.scatter [tilespmem:s10], [sflag:$0x8], $0x80, $0x38;
	[tilespmem:$0x16C00] =	vst v63  }
0x1fd: {  	s10 =	sadd.s32 $0x14D30, s11;
	s12 =	sadd.s32 $0x60, s1;
	s11 =	sadd.s32 $0x14DB8, s11  }
0x1fe: {  	[hbm4b:s12+s3] =	stream.linear.scatter [tilespmem:s10], [sflag:$0x8], $0x80, $0x38;
	[tilespmem:$0x16C00] =	vst v63  }
0x1ff: {  	s12 =	sadd.s32 $0x70, s1;
	s1 =	sadd.s32 $0x1000, s1;
	s10 =	smov.u32 s13  }
0x200: {  	[hbm4b:s12+s3] =	stream.linear.scatter [tilespmem:s11], [sflag:$0x8], $0x80, $0x38;
	[tilespmem:$0x16C00] =	vst v63  }
0x201: {  	s10 =	sadd.s32 $0x14A00, s0  }
0x202: {  	[hbm4b:s1+s3] =	stream.linear.scatter [tilespmem:s10], [sflag:$0x8], $0x80, $0x38;
	[tilespmem:$0x16C00] =	vst v63  }
0x203: {  	s14 =	sadd.s32 $0x14A88, s0;
	s31 =	sadd.s32 $0x10, s1  }
0x204: {  	[hbm4b:s31+s3] =	stream.linear.scatter [tilespmem:s14], [sflag:$0x8], $0x80, $0x38;
	[tilespmem:$0x16C00] =	vst v63  }
0x205: {  	s12 =	sadd.s32 $0x14B10, s0;
	s13 =	sadd.s32 $0x20, s1  }
0x206: {  	[hbm4b:s13+s3] =	stream.linear.scatter [tilespmem:s12], [sflag:$0x8], $0x80, $0x38;
	[tilespmem:$0x16C00] =	vst v63  }
0x207: {  	s14 =	sadd.s32 $0x14B98, s0;
	s31 =	sadd.s32 $0x30, s1  }
0x208: {  	[hbm4b:s31+s3] =	stream.linear.scatter [tilespmem:s14], [sflag:$0x8], $0x80, $0x38;
	[tilespmem:$0x16C00] =	vst v63  }
0x209: {  	s12 =	sadd.s32 $0x14C20, s0;
	s13 =	sadd.s32 $0x40, s1  }
0x20a: {  	[hbm4b:s13+s3] =	stream.linear.scatter [tilespmem:s12], [sflag:$0x8], $0x80, $0x38;
	[tilespmem:$0x16C00] =	vst v63  }
0x20b: {  	s14 =	sadd.s32 $0x14CA8, s0;
	s31 =	sadd.s32 $0x50, s1  }
0x20c: {  	[hbm4b:s31+s3] =	stream.linear.scatter [tilespmem:s14], [sflag:$0x8], $0x80, $0x38;
	[tilespmem:$0x16C00] =	vst v63  }
.Ltmp10:
0x20d: {  	_ = 	snop;
	(pc) =	sbr.rel @p1 .LBB2_20-.Ltmp10, $4  }
0x20e: {  	s12 =	sadd.s32 $0x14D30, s0;
	s13 =	sadd.s32 $0x60, s1  }
0x20f: {  	[hbm4b:s13+s3] =	stream.linear.scatter [tilespmem:s12], [sflag:$0x8], $0x80, $0x38;
	[tilespmem:$0x16C00] =	vst v63  }
0x210: {  	s14 =	sadd.s32 $0x14DB8, s0;
	s31 =	sadd.s32 $0x70, s1  }
0x211: {  	[hbm4b:s31+s3] =	stream.linear.scatter [tilespmem:s14], [sflag:$0x8], $0x80, $0x38;
	[tilespmem:$0x16C00] =	vst v63  }
.Ltmp11:
0x212: {  	(pc) =	sbr.rel .LBB2_2-.Ltmp11, $4  }
0x213: {  	s0 =	sshll.u32 s30, $0x9  }
0x214: {  	s0 =	sand.u32 $0x3FFFFE00, s0  }
0x215: {  	s30 =	sadd.s32 $0x1, s30;
	s0 =	sadd.s32 $0x380, s0  }
0x216: {  	[tilespmem:s15], [sflag:$0x4] =	stream.indirect.gather [hbm4b:s4+s9], $0x40, s0, s9, $0xb8;
	[tilespmem:$0x16C00] =	vst v63  }
.LBB2_21:
0x217: {  	_ =	sfence.sel $0x180000  }
0x218: {  	[bflag:$0x0] =	sbarrier.arrive $0xFFFF  }
0x219: {  	_ =	strace $0x90000047  }
0x21a: {  	s0 =	stileid.u32;
	[bflag:$0x2] =	sbarrier.arrive $0xFFFF  }
0x21b: {  	p0 =	sne.s32 s0, $0x0;
	s0 =	rddreg [dreg:$0x2]  }
0x21c: {  	s0 =	sadd.s32 @!p0 $0x100000, s0  }
0x21d: {  	[sflag:s0] =	ssyncadd.tile.s32 @!p0 $0x1;
	_ =	shalt  }
.Lfunc_end2:
_tile_overlayer_lowered:
.L_overlay_start_2:
0x21e: {  	(tag) =	ssettag $0x2  }
0x21f: {  	s0 =	rddreg [dreg:$0x0];
	s2 =	stileid.u32  }
0x220: {  	s1 =	rddreg [dreg:$0x1];
	p0 =	sne.s32 s2, $0x0  }
0x221: {  	s3 =	rddreg [dreg:$0x2];
	[bflag:$0x3] =	sbarrier.arrive $0xFFFF;
	s2 =	simm.s32 @!p0 $0x1C09  }
0x222: {  	[timem:s3], [sflag:s2] =	dma.local @!p0 [hbm:s0], s1  }
0x223: {  	s0 =	simm.s32 @!p0 $0x9  }
0x224: {  	_ =	swait.ge @!p0 [sflag:s0], s1  }
0x225: {  	s1 =	ssub.s32 @!p0 $0x0, s1;
	[sflag:s0] =	ssyncset.done @!p0 $0x0  }
0x226: {  	[sflag:s0] =	ssyncadd.s32 @!p0 s1  }
0x227: {  	[bflag:$0x3] =	sbarrier.arrive $0xFFFF  }
0x228: {  	_ =	shalt  }

</sc_bundles>
